<compile_context>
chip_gen: v7x
topology: tpu7x:2x2x1
jax: 0.10.2.dev20260603
libtpu: 0.0.44.dev20260713+nightly
codegen_flags: <defaults>
</compile_context>

<pallas_src>
import functools

import jax
import jax.numpy as jnp
from jax import lax
from jax.experimental import pallas as pl
from jax.experimental.pallas import tpu as pltpu
from jax.experimental.pallas import tpu_sc as plsc

N = 10000
E = 320000
D = 128
H = 128
G = 64

NC = 2
NS = 16
NW = NC * NS
NP = 10240

CH = 80
NCH = (E // NW) // CH
ROWS_PT = NP // NS

BN = 128
NPB = NP // BN


@functools.lru_cache(maxsize=None)
def _sc_kernels():
    mesh = plsc.VectorSubcoreMesh(core_axis_name="c", subcore_axis_name="s")

    @functools.partial(
        pl.kernel,
        out_type=jax.ShapeDtypeStruct((NC * NP, D), jnp.float32),
        mesh=mesh,
        scratch_types=[
            pltpu.VMEM((NCH, CH), jnp.int32),
            pltpu.VMEM((CH, D), jnp.float32),
            pltpu.VMEM_SHARED((NP, D), jnp.float32),
        ],
        interpret=False,
    )
    def _sc_degree(dst_hbm, zeros_hbm, ones_hbm, out_hbm, idx_v, ones_v,
                   acc_sh):
        c = lax.axis_index("c")
        s = lax.axis_index("s")
        wid = s * NC + c
        base = s * ROWS_PT

        pltpu.sync_copy(ones_hbm, ones_v)
        pltpu.sync_copy(zeros_hbm.at[pl.ds(base, ROWS_PT)],
                        acc_sh.at[pl.ds(base, ROWS_PT)])
        plsc.subcore_barrier()

        pltpu.sync_copy(dst_hbm.at[wid], idx_v)

        @pl.loop(0, NCH)
        def _(i):
            pltpu.sync_copy(ones_v, acc_sh.at[idx_v.at[i]], add=True)

        plsc.subcore_barrier()
        pltpu.sync_copy(acc_sh.at[pl.ds(base, ROWS_PT)],
                        out_hbm.at[pl.ds(c * NP + base, ROWS_PT)])

    @functools.partial(
        pl.kernel,
        out_type=jax.ShapeDtypeStruct((NC * NP, D), jnp.float32),
        mesh=mesh,
        scratch_types=[
            pltpu.VMEM((NCH, CH), jnp.int32),
            pltpu.VMEM((NCH, CH), jnp.int32),
            pltpu.VMEM((CH, D), jnp.float32),
            pltpu.VMEM_SHARED((NP, D), jnp.float32),
            pltpu.SemaphoreType.DMA,
        ],
        interpret=False,
    )
    def _sc_agg(xs_hbm, src_hbm, dst_hbm, zeros_hbm, out_hbm, sidx, didx,
                rows_v, acc_sh, gsem):
        c = lax.axis_index("c")
        s = lax.axis_index("s")
        wid = s * NC + c
        base = s * ROWS_PT

        pltpu.sync_copy(zeros_hbm.at[pl.ds(base, ROWS_PT)],
                        acc_sh.at[pl.ds(base, ROWS_PT)])
        plsc.subcore_barrier()

        pltpu.sync_copy(src_hbm.at[wid], sidx)
        pltpu.sync_copy(dst_hbm.at[wid], didx)

        @pl.loop(0, NCH)
        def _(i):
            pltpu.async_copy(xs_hbm.at[sidx.at[i]], rows_v, gsem).wait()
            pltpu.sync_copy(rows_v, acc_sh.at[didx.at[i]], add=True)

        plsc.subcore_barrier()
        pltpu.sync_copy(acc_sh.at[pl.ds(base, ROWS_PT)],
                        out_hbm.at[pl.ds(c * NP + base, ROWS_PT)])

    return _sc_degree, _sc_agg


def _scale_body(dega_ref, degb_ref, x_ref, o_ref):
    d = dega_ref[:, 0:1] + degb_ref[:, 0:1] + 1.0
    o_ref[...] = x_ref[...] * lax.rsqrt(d)


def _tc_scale(deg_a, deg_b, x_pad):
    return pl.pallas_call(
        _scale_body,
        grid=(NPB,),
        in_specs=[
            pl.BlockSpec((BN, D), lambda i: (i, 0)),
            pl.BlockSpec((BN, D), lambda i: (i, 0)),
            pl.BlockSpec((BN, D), lambda i: (i, 0)),
        ],
        out_specs=pl.BlockSpec((BN, D), lambda i: (i, 0)),
        out_shape=jax.ShapeDtypeStruct((NP, D), jnp.float32),
        interpret=False,
    )(deg_a, deg_b, x_pad)


def _dense_body(dega_ref, degb_ref, ya_ref, yb_ref, xs_ref, b_ref,
                Wl_ref, bl_ref, Wg_ref, bg_ref,
                Wft_ref, Wfb_ref, bf_ref,
                W1_ref, b1_ref, W2_ref, b2_ref,
                o_ref, sums, cnts):
    i = pl.program_id(0)

    @pl.when(i == 0)
    def _():
        sums[...] = jnp.zeros_like(sums)
        cnts[...] = jnp.zeros_like(cnts)

    d = dega_ref[:, 0:1] + degb_ref[:, 0:1] + 1.0
    dinv = lax.rsqrt(d)
    y = (ya_ref[...] + yb_ref[...] + xs_ref[...]) * dinv
    loc = jnp.maximum(
        jnp.dot(y, Wl_ref[...], preferred_element_type=jnp.float32)
        + bl_ref[...], 0.0)
    glo = jnp.maximum(
        jnp.dot(y, Wg_ref[...], preferred_element_type=jnp.float32)
        + bg_ref[...], 0.0)
    fus = jnp.maximum(
        jnp.dot(loc, Wft_ref[...], preferred_element_type=jnp.float32)
        + jnp.dot(glo, Wfb_ref[...], preferred_element_type=jnp.float32)
        + bf_ref[...], 0.0)

    seg = lax.broadcasted_iota(jnp.int32, (BN, G), 1)
    m = (b_ref[...] == seg).astype(jnp.float32)
    dn = (((0,), (0,)), ((), ()))
    sums[...] += lax.dot_general(m, fus, dn, preferred_element_type=jnp.float32)
    cnts[...] += lax.dot_general(m, jnp.ones((BN, D), jnp.float32), dn,
                                 preferred_element_type=jnp.float32)

    @pl.when(i == NPB - 1)
    def _():
        pooled = sums[...] / jnp.maximum(cnts[...], 1.0)
        h = jnp.maximum(
            jnp.dot(pooled, W1_ref[...], preferred_element_type=jnp.float32)
            + b1_ref[...], 0.0)
        o_ref[...] = jnp.dot(h, W2_ref[...], preferred_element_type=jnp.float32) \
            + b2_ref[...]


def _tc_dense(deg_a, deg_b, y_a, y_b, xs, batch2d, Wl, bl, Wg, bg,
              Wft, Wfb, bf, W1, b1, W2p, b2):
    full = lambda shp: pl.BlockSpec(shp, lambda i: tuple(0 for _ in shp))
    return pl.pallas_call(
        _dense_body,
        grid=(NPB,),
        in_specs=[
            pl.BlockSpec((BN, D), lambda i: (i, 0)),
            pl.BlockSpec((BN, D), lambda i: (i, 0)),
            pl.BlockSpec((BN, D), lambda i: (i, 0)),
            pl.BlockSpec((BN, D), lambda i: (i, 0)),
            pl.BlockSpec((BN, D), lambda i: (i, 0)),
            pl.BlockSpec((BN, 1), lambda i: (i, 0)),
            full((D, H)), full((1, H)),
            full((D, H)), full((1, H)),
            full((H, H)), full((H, H)), full((1, H)),
            full((H, H // 2)), full((1, H // 2)),
            full((H // 2, D)), full((1, 1)),
        ],
        out_specs=pl.BlockSpec((G, D), lambda i: (0, 0)),
        out_shape=jax.ShapeDtypeStruct((G, D), jnp.float32),
        scratch_shapes=[
            pltpu.VMEM((G, D), jnp.float32),
            pltpu.VMEM((G, D), jnp.float32),
        ],
        interpret=False,
    )(deg_a, deg_b, y_a, y_b, xs, batch2d, Wl, bl, Wg, bg, Wft, Wfb, bf,
      W1, b1, W2p, b2)


def kernel(x, edge_index, batch, W_local, b_local, W_global, b_global,
           W_fus, b_fus, W1, b1, W2, b2):
    sc_degree, sc_agg = _sc_kernels()
    src3d = edge_index[0].reshape(NW, NCH, CH)
    dst3d = edge_index[1].reshape(NW, NCH, CH)
    x_pad = jnp.concatenate([x, jnp.zeros((NP - N, D), x.dtype)])
    batch2d = jnp.concatenate(
        [batch, jnp.full((NP - N,), jnp.int32(2 * G), batch.dtype)]).reshape(NP, 1)
    zeros_np = jnp.zeros((NP, D), jnp.float32)
    ones_ch = jnp.ones((CH, D), jnp.float32)

    deg2d = sc_degree(dst3d, zeros_np, ones_ch)
    deg_a, deg_b = deg2d[:NP], deg2d[NP:]
    xs = _tc_scale(deg_a, deg_b, x_pad)
    y2d = sc_agg(xs, src3d, dst3d, zeros_np)
    y_a, y_b = y2d[:NP], y2d[NP:]

    W2p = jnp.concatenate([W2, jnp.zeros((H // 2, D - 1), W2.dtype)], axis=1)
    out128 = _tc_dense(
        deg_a, deg_b, y_a, y_b, xs, batch2d,
        W_local, b_local.reshape(1, H),
        W_global, b_global.reshape(1, H),
        W_fus[:H], W_fus[H:], b_fus.reshape(1, H),
        W1, b1.reshape(1, H // 2), W2p, b2.reshape(1, 1))
    return out128[:, :1]

# --- scband reference (transcript-rebuilt; emitter-appended) ---
"""Pipeline reference for scband-mxmnet-model-33818572488721 (READ-ONLY COPY).

The authoritative reference and input builder live on the scoring server;
editing this copy changes nothing except your own understanding.
"""

import jax, jax.numpy as jnp
import numpy as np

N = 10000
E = 320000
D = 128
H = 128
G = 64


def setup_inputs(seed: int = 0) -> dict:
    key = jax.random.key(seed)
    ks = jax.random.split(key, 16)
    x = jax.random.normal(ks[0], (N, D), dtype=jnp.float32)
    edge_index = jax.random.randint(ks[1], (2, E), 0, N, dtype=jnp.int32)
    batch = jnp.sort(jax.random.randint(ks[2], (N,), 0, G, dtype=jnp.int32))
    s_d = 1.0 / np.sqrt(D)
    s_2h = 1.0 / np.sqrt(2 * H)
    s_h = 1.0 / np.sqrt(H)
    s_h2 = 1.0 / np.sqrt(H // 2)
    W_local = jax.random.normal(ks[3], (D, H), dtype=jnp.float32) * s_d
    b_local = jnp.zeros((H,), dtype=jnp.float32)
    W_global = jax.random.normal(ks[4], (D, H), dtype=jnp.float32) * s_d
    b_global = jnp.zeros((H,), dtype=jnp.float32)
    W_fus = jax.random.normal(ks[5], (2 * H, H), dtype=jnp.float32) * s_2h
    b_fus = jax.random.normal(ks[6], (H,), dtype=jnp.float32) * s_2h
    W1 = jax.random.normal(ks[7], (H, H // 2), dtype=jnp.float32) * s_h
    b1 = jax.random.normal(ks[8], (H // 2,), dtype=jnp.float32) * s_h
    W2 = jax.random.normal(ks[9], (H // 2, 1), dtype=jnp.float32) * s_h2
    b2 = jax.random.normal(ks[10], (1,), dtype=jnp.float32) * s_h2
    return {
        "x": x, "edge_index": edge_index, "batch": batch,
        "W_local": W_local, "b_local": b_local,
        "W_global": W_global, "b_global": b_global,
        "W_fus": W_fus, "b_fus": b_fus,
        "W1": W1, "b1": b1, "W2": W2, "b2": b2,
    }


def _gcn_conv(x, edge_index, W, b):
    # PyG-style GCNConv: add self-loops, symmetric normalization, scatter-add aggregation
    src = edge_index[0]
    dst = edge_index[1]
    loop = jnp.arange(N, dtype=src.dtype)
    src2 = jnp.concatenate([src, loop])
    dst2 = jnp.concatenate([dst, loop])
    xw = x @ W
    deg = jnp.zeros((N,), dtype=x.dtype).at[dst2].add(1.0)
    deg_inv_sqrt = jnp.where(deg > 0, 1.0 / jnp.sqrt(deg), 0.0)
    norm = deg_inv_sqrt[src2] * deg_inv_sqrt[dst2]
    msg = xw[src2] * norm[:, None]
    out = jnp.zeros((N, W.shape[1]), dtype=x.dtype).at[dst2].add(msg)
    return out + b


def _global_mean_pool(h, batch):
    sums = jax.ops.segment_sum(h, batch, num_segments=G)
    counts = jax.ops.segment_sum(jnp.ones((h.shape[0], 1), dtype=h.dtype), batch, num_segments=G)
    return sums / jnp.maximum(counts, 1.0)


def reference(x, edge_index, batch, W_local, b_local, W_global, b_global, W_fus, b_fus, W1, b1, W2, b2):
    local = jax.nn.relu(_gcn_conv(x, edge_index, W_local, b_local))
    global_ = jax.nn.relu(_gcn_conv(x, edge_index, W_global, b_global))
    combined = jnp.concatenate([local, global_], axis=-1)
    fused = jax.nn.relu(combined @ W_fus + b_fus)
    pooled = _global_mean_pool(fused, batch)
    h = jax.nn.relu(pooled @ W1 + b1)
    return h @ W2 + b2

if __name__ == "__main__":
    import jax
    _d = setup_inputs()
    print(jax.jit(kernel)(*tuple(_d.values())))

</pallas_src>

<mosaic_0001>
#map = affine_map<(d0, d1) -> (0, 0, 0)>
#map1 = affine_map<(d0, d1) -> (0, 0)>
module attributes {stable_mosaic.version = 14 : i64} {
  func.func @_sc_degree(%arg0: i32, %arg1: i32, %arg2: memref<32x125x80xi32, #tpu.memory_space<hbm>>, %arg3: memref<10240x128xf32, #tpu.memory_space<hbm>>, %arg4: memref<80x128xf32, #tpu.memory_space<hbm>>, %arg5: memref<20480x128xf32, #tpu.memory_space<hbm>>, %arg6: memref<125x80xi32, #tpu.memory_space<vmem>>, %arg7: memref<80x128xf32, #tpu.memory_space<vmem>>, %arg8: memref<10240x128xf32, #tpu.memory_space<vmem_shared>>) attributes {dimension_semantics = [#tpu.dimension_semantics<core_parallel>, #tpu.dimension_semantics<subcore_parallel>], iteration_bounds = array<i64: 2, 16>, scalar_prefetch = 0 : i64, scratch_operands = 3 : i64, tpu.core_type = #tpu.core_type<sc_vector_subcore>, window_params = [{transform_indices = #map}, {transform_indices = #map1}, {transform_indices = #map1}, {transform_indices = #map1}]} {
    %mul3A = arith.constant 2 : i32
    %mul3A_0 = arith.muli %arg1, %mul3A : i32
    %add3A = arith.addi %mul3A_0, %arg0 : i32
    %mul3A_1 = arith.constant 640 : i32
    %mul3A_2 = arith.muli %arg1, %mul3A_1 : i32
    "tpu.region"() ({
      %run_scoped3A = tpu.sem_alloc : memref<!tpu.dma_semaphore, #tpu.memory_space<semaphore_mem>>
      tpu.enqueue_dma source(%arg4 : memref<80x128xf32, #tpu.memory_space<hbm>>) target(%arg7 : memref<80x128xf32, #tpu.memory_space<vmem>>) target_semaphore(%run_scoped3A : memref<!tpu.dma_semaphore, #tpu.memory_space<semaphore_mem>>)
      tpu.wait_dma2 semaphore(%run_scoped3A : memref<!tpu.dma_semaphore, #tpu.memory_space<semaphore_mem>>) src(%arg4 : memref<80x128xf32, #tpu.memory_space<hbm>>) dst(%arg7 : memref<80x128xf32, #tpu.memory_space<vmem>>)
      tpu.yield
    }) : () -> ()
    "tpu.region"() ({
      %run_scoped3A = tpu.sem_alloc : memref<!tpu.dma_semaphore, #tpu.memory_space<semaphore_mem>>
      %dma_start3A = arith.constant 0 : i32
      %dma_start3A_11 = tpu.memref_slice %arg8[%mul3A_2, %dma_start3A] : memref<10240x128xf32, #tpu.memory_space<vmem_shared>> -> memref<640x128xf32, #tpu.memory_space<vmem_shared>>
      %dma_start3A_12 = arith.constant 0 : i32
      %dma_start3A_13 = tpu.memref_slice %arg3[%mul3A_2, %dma_start3A_12] : memref<10240x128xf32, #tpu.memory_space<hbm>> -> memref<640x128xf32, #tpu.memory_space<hbm>>
      tpu.enqueue_dma source(%dma_start3A_13 : memref<640x128xf32, #tpu.memory_space<hbm>>) target(%dma_start3A_11 : memref<640x128xf32, #tpu.memory_space<vmem_shared>>) target_semaphore(%run_scoped3A : memref<!tpu.dma_semaphore, #tpu.memory_space<semaphore_mem>>)
      %dma_wait3A = arith.constant 0 : i32
      %dma_wait3A_14 = tpu.memref_slice %arg8[%mul3A_2, %dma_wait3A] : memref<10240x128xf32, #tpu.memory_space<vmem_shared>> -> memref<640x128xf32, #tpu.memory_space<vmem_shared>>
      %dma_wait3A_15 = arith.constant 0 : i32
      %dma_wait3A_16 = tpu.memref_slice %arg3[%mul3A_2, %dma_wait3A_15] : memref<10240x128xf32, #tpu.memory_space<hbm>> -> memref<640x128xf32, #tpu.memory_space<hbm>>
      tpu.wait_dma2 semaphore(%run_scoped3A : memref<!tpu.dma_semaphore, #tpu.memory_space<semaphore_mem>>) src(%dma_wait3A_16 : memref<640x128xf32, #tpu.memory_space<hbm>>) dst(%dma_wait3A_14 : memref<640x128xf32, #tpu.memory_space<vmem_shared>>)
      tpu.yield
    }) : () -> ()
    %barrier3A = arith.constant 0 : index
    tpu.barrier barrier_id(%barrier3A)
    "tpu.region"() ({
      %run_scoped3A = tpu.sem_alloc : memref<!tpu.dma_semaphore, #tpu.memory_space<semaphore_mem>>
      %dma_start3A = arith.constant 0 : i32
      %dma_start3A_11 = arith.constant 0 : i32
      %dma_start3A_12 = tpu.memref_slice %arg2[%add3A, %dma_start3A, %dma_start3A_11] : memref<32x125x80xi32, #tpu.memory_space<hbm>> -> memref<1x125x80xi32, #tpu.memory_space<hbm>>
      %dma_start3A_13 = tpu.memref_squeeze %dma_start3A_12 : memref<1x125x80xi32, #tpu.memory_space<hbm>> -> memref<125x80xi32, #tpu.memory_space<hbm>>
      %dma_start3A_14 = arith.constant 0 : i32
      %dma_start3A_15 = arith.constant 0 : i32
      %dma_start3A_16 = tpu.memref_slice %arg2[%add3A, %dma_start3A_14, %dma_start3A_15] : memref<32x125x80xi32, #tpu.memory_space<hbm>> -> memref<1x125x80xi32, #tpu.memory_space<hbm>>
      %dma_start3A_17 = tpu.memref_squeeze %dma_start3A_16 : memref<1x125x80xi32, #tpu.memory_space<hbm>> -> memref<125x80xi32, #tpu.memory_space<hbm>>
      tpu.enqueue_dma source(%dma_start3A_17 : memref<125x80xi32, #tpu.memory_space<hbm>>) target(%arg6 : memref<125x80xi32, #tpu.memory_space<vmem>>) target_semaphore(%run_scoped3A : memref<!tpu.dma_semaphore, #tpu.memory_space<semaphore_mem>>)
      %dma_wait3A = arith.constant 0 : i32
      %dma_wait3A_18 = arith.constant 0 : i32
      %dma_wait3A_19 = tpu.memref_slice %arg2[%add3A, %dma_wait3A, %dma_wait3A_18] : memref<32x125x80xi32, #tpu.memory_space<hbm>> -> memref<1x125x80xi32, #tpu.memory_space<hbm>>
      %dma_wait3A_20 = tpu.memref_squeeze %dma_wait3A_19 : memref<1x125x80xi32, #tpu.memory_space<hbm>> -> memref<125x80xi32, #tpu.memory_space<hbm>>
      %dma_wait3A_21 = arith.constant 0 : i32
      %dma_wait3A_22 = arith.constant 0 : i32
      %dma_wait3A_23 = tpu.memref_slice %arg2[%add3A, %dma_wait3A_21, %dma_wait3A_22] : memref<32x125x80xi32, #tpu.memory_space<hbm>> -> memref<1x125x80xi32, #tpu.memory_space<hbm>>
      %dma_wait3A_24 = tpu.memref_squeeze %dma_wait3A_23 : memref<1x125x80xi32, #tpu.memory_space<hbm>> -> memref<125x80xi32, #tpu.memory_space<hbm>>
      tpu.wait_dma2 semaphore(%run_scoped3A : memref<!tpu.dma_semaphore, #tpu.memory_space<semaphore_mem>>) src(%dma_wait3A_24 : memref<125x80xi32, #tpu.memory_space<hbm>>) dst(%arg6 : memref<125x80xi32, #tpu.memory_space<vmem>>)
      tpu.yield
    }) : () -> ()
    %scan3A = arith.constant 0 : i32
    %scan3A_3 = arith.constant 125 : i32
    %scan3A_4 = arith.addi %scan3A, %scan3A_3 : i32
    %scan3A_5 = arith.constant 1 : i32
    scf.for %scan3A_11 = %scan3A to %scan3A_4 step %scan3A_5  : i32 {
      %mul3A_12 = arith.constant 1 : i32
      %mul3A_13 = arith.muli %scan3A_11, %mul3A_12 : i32
      %add3A_14 = arith.constant 0 : i32
      %add3A_15 = arith.addi %add3A_14, %mul3A_13 : i32
      "tpu.region"() ({
        %run_scoped3A = tpu.sem_alloc : memref<!tpu.dma_semaphore, #tpu.memory_space<semaphore_mem>>
        %dma_start3A = arith.constant 0 : i32
        %dma_start3A_16 = tpu.memref_slice %arg6[%add3A_15, %dma_start3A] : memref<125x80xi32, #tpu.memory_space<vmem>> -> memref<1x80xi32, #tpu.memory_space<vmem>>
        %dma_start3A_17 = tpu.memref_squeeze %dma_start3A_16 : memref<1x80xi32, #tpu.memory_space<vmem>> -> memref<80xi32, #tpu.memory_space<vmem>>
        %dma_start3A_18 = arith.constant 0 : i32
        %dma_start3A_19 = arith.constant 0 : i32
        %dma_start3A_20 = tpu.memref_slice %arg8[%dma_start3A_18, %dma_start3A_19] : memref<10240x128xf32, #tpu.memory_space<vmem_shared>> -> memref<10240x128xf32, #tpu.memory_space<vmem_shared>>
        tpu.enqueue_indirect_dma source(%arg7 : memref<80x128xf32, #tpu.memory_space<vmem>>) target(%dma_start3A_20 : memref<10240x128xf32, #tpu.memory_space<vmem_shared>>) offsets(%dma_start3A_17 : memref<80xi32, #tpu.memory_space<vmem>>) semaphore(%run_scoped3A : memref<!tpu.dma_semaphore, #tpu.memory_space<semaphore_mem>>) {add = true}
        %dma_wait3A = arith.constant 0 : i32
        %dma_wait3A_21 = tpu.memref_slice %arg6[%add3A_15, %dma_wait3A] : memref<125x80xi32, #tpu.memory_space<vmem>> -> memref<1x80xi32, #tpu.memory_space<vmem>>
        %dma_wait3A_22 = tpu.memref_squeeze %dma_wait3A_21 : memref<1x80xi32, #tpu.memory_space<vmem>> -> memref<80xi32, #tpu.memory_space<vmem>>
        %dma_wait3A_23 = arith.constant 0 : i32
        %dma_wait3A_24 = arith.constant 0 : i32
        %dma_wait3A_25 = tpu.memref_slice %arg8[%dma_wait3A_23, %dma_wait3A_24] : memref<10240x128xf32, #tpu.memory_space<vmem_shared>> -> memref<10240x128xf32, #tpu.memory_space<vmem_shared>>
        tpu.wait_indirect_dma semaphore(%run_scoped3A : memref<!tpu.dma_semaphore, #tpu.memory_space<semaphore_mem>>) src(%arg7 : memref<80x128xf32, #tpu.memory_space<vmem>>) dst(%dma_wait3A_25 : memref<10240x128xf32, #tpu.memory_space<vmem_shared>>)
        tpu.yield
      }) : () -> ()
    }
    %scan3A_6 = arith.constant 125 : i32
    %barrier3A_7 = arith.constant 0 : index
    tpu.barrier barrier_id(%barrier3A_7)
    %mul3A_8 = arith.constant 10240 : i32
    %mul3A_9 = arith.muli %arg0, %mul3A_8 : i32
    %add3A_10 = arith.addi %mul3A_9, %mul3A_2 : i32
    "tpu.region"() ({
      %run_scoped3A = tpu.sem_alloc : memref<!tpu.dma_semaphore, #tpu.memory_space<semaphore_mem>>
      %dma_start3A = arith.constant 0 : i32
      %dma_start3A_11 = tpu.memref_slice %arg5[%add3A_10, %dma_start3A] : memref<20480x128xf32, #tpu.memory_space<hbm>> -> memref<640x128xf32, #tpu.memory_space<hbm>>
      %dma_start3A_12 = arith.constant 0 : i32
      %dma_start3A_13 = tpu.memref_slice %arg8[%mul3A_2, %dma_start3A_12] : memref<10240x128xf32, #tpu.memory_space<vmem_shared>> -> memref<640x128xf32, #tpu.memory_space<vmem_shared>>
      tpu.enqueue_dma source(%dma_start3A_13 : memref<640x128xf32, #tpu.memory_space<vmem_shared>>) target(%dma_start3A_11 : memref<640x128xf32, #tpu.memory_space<hbm>>) target_semaphore(%run_scoped3A : memref<!tpu.dma_semaphore, #tpu.memory_space<semaphore_mem>>)
      %dma_wait3A = arith.constant 0 : i32
      %dma_wait3A_14 = tpu.memref_slice %arg5[%add3A_10, %dma_wait3A] : memref<20480x128xf32, #tpu.memory_space<hbm>> -> memref<640x128xf32, #tpu.memory_space<hbm>>
      %dma_wait3A_15 = arith.constant 0 : i32
      %dma_wait3A_16 = tpu.memref_slice %arg8[%mul3A_2, %dma_wait3A_15] : memref<10240x128xf32, #tpu.memory_space<vmem_shared>> -> memref<640x128xf32, #tpu.memory_space<vmem_shared>>
      tpu.wait_dma2 semaphore(%run_scoped3A : memref<!tpu.dma_semaphore, #tpu.memory_space<semaphore_mem>>) src(%dma_wait3A_16 : memref<640x128xf32, #tpu.memory_space<vmem_shared>>) dst(%dma_wait3A_14 : memref<640x128xf32, #tpu.memory_space<hbm>>)
      tpu.yield
    }) : () -> ()
    return
  }
}

#map = affine_map<(d0, d1) -> (0, 0)>
#map1 = affine_map<(d0, d1) -> (0, 0, 0)>
module attributes {stable_mosaic.version = 14 : i64} {
  func.func @_sc_agg(%arg0: i32, %arg1: i32, %arg2: memref<10240x128xf32, #tpu.memory_space<hbm>>, %arg3: memref<32x125x80xi32, #tpu.memory_space<hbm>>, %arg4: memref<32x125x80xi32, #tpu.memory_space<hbm>>, %arg5: memref<10240x128xf32, #tpu.memory_space<hbm>>, %arg6: memref<20480x128xf32, #tpu.memory_space<hbm>>, %arg7: memref<125x80xi32, #tpu.memory_space<vmem>>, %arg8: memref<125x80xi32, #tpu.memory_space<vmem>>, %arg9: memref<80x128xf32, #tpu.memory_space<vmem>>, %arg10: memref<10240x128xf32, #tpu.memory_space<vmem_shared>>, %arg11: memref<!tpu.dma_semaphore, #tpu.memory_space<semaphore_mem>>) attributes {dimension_semantics = [#tpu.dimension_semantics<core_parallel>, #tpu.dimension_semantics<subcore_parallel>], iteration_bounds = array<i64: 2, 16>, scalar_prefetch = 0 : i64, scratch_operands = 5 : i64, tpu.core_type = #tpu.core_type<sc_vector_subcore>, window_params = [{transform_indices = #map}, {transform_indices = #map1}, {transform_indices = #map1}, {transform_indices = #map}, {transform_indices = #map}]} {
    %mul3A = arith.constant 2 : i32
    %mul3A_0 = arith.muli %arg1, %mul3A : i32
    %add3A = arith.addi %mul3A_0, %arg0 : i32
    %mul3A_1 = arith.constant 640 : i32
    %mul3A_2 = arith.muli %arg1, %mul3A_1 : i32
    "tpu.region"() ({
      %run_scoped3A = tpu.sem_alloc : memref<!tpu.dma_semaphore, #tpu.memory_space<semaphore_mem>>
      %dma_start3A = arith.constant 0 : i32
      %dma_start3A_11 = tpu.memref_slice %arg10[%mul3A_2, %dma_start3A] : memref<10240x128xf32, #tpu.memory_space<vmem_shared>> -> memref<640x128xf32, #tpu.memory_space<vmem_shared>>
      %dma_start3A_12 = arith.constant 0 : i32
      %dma_start3A_13 = tpu.memref_slice %arg5[%mul3A_2, %dma_start3A_12] : memref<10240x128xf32, #tpu.memory_space<hbm>> -> memref<640x128xf32, #tpu.memory_space<hbm>>
      tpu.enqueue_dma source(%dma_start3A_13 : memref<640x128xf32, #tpu.memory_space<hbm>>) target(%dma_start3A_11 : memref<640x128xf32, #tpu.memory_space<vmem_shared>>) target_semaphore(%run_scoped3A : memref<!tpu.dma_semaphore, #tpu.memory_space<semaphore_mem>>)
      %dma_wait3A = arith.constant 0 : i32
      %dma_wait3A_14 = tpu.memref_slice %arg10[%mul3A_2, %dma_wait3A] : memref<10240x128xf32, #tpu.memory_space<vmem_shared>> -> memref<640x128xf32, #tpu.memory_space<vmem_shared>>
      %dma_wait3A_15 = arith.constant 0 : i32
      %dma_wait3A_16 = tpu.memref_slice %arg5[%mul3A_2, %dma_wait3A_15] : memref<10240x128xf32, #tpu.memory_space<hbm>> -> memref<640x128xf32, #tpu.memory_space<hbm>>
      tpu.wait_dma2 semaphore(%run_scoped3A : memref<!tpu.dma_semaphore, #tpu.memory_space<semaphore_mem>>) src(%dma_wait3A_16 : memref<640x128xf32, #tpu.memory_space<hbm>>) dst(%dma_wait3A_14 : memref<640x128xf32, #tpu.memory_space<vmem_shared>>)
      tpu.yield
    }) : () -> ()
    %barrier3A = arith.constant 0 : index
    tpu.barrier barrier_id(%barrier3A)
    "tpu.region"() ({
      %run_scoped3A = tpu.sem_alloc : memref<!tpu.dma_semaphore, #tpu.memory_space<semaphore_mem>>
      %dma_start3A = arith.constant 0 : i32
      %dma_start3A_11 = arith.constant 0 : i32
      %dma_start3A_12 = tpu.memref_slice %arg3[%add3A, %dma_start3A, %dma_start3A_11] : memref<32x125x80xi32, #tpu.memory_space<hbm>> -> memref<1x125x80xi32, #tpu.memory_space<hbm>>
      %dma_start3A_13 = tpu.memref_squeeze %dma_start3A_12 : memref<1x125x80xi32, #tpu.memory_space<hbm>> -> memref<125x80xi32, #tpu.memory_space<hbm>>
      %dma_start3A_14 = arith.constant 0 : i32
      %dma_start3A_15 = arith.constant 0 : i32
      %dma_start3A_16 = tpu.memref_slice %arg3[%add3A, %dma_start3A_14, %dma_start3A_15] : memref<32x125x80xi32, #tpu.memory_space<hbm>> -> memref<1x125x80xi32, #tpu.memory_space<hbm>>
      %dma_start3A_17 = tpu.memref_squeeze %dma_start3A_16 : memref<1x125x80xi32, #tpu.memory_space<hbm>> -> memref<125x80xi32, #tpu.memory_space<hbm>>
      tpu.enqueue_dma source(%dma_start3A_17 : memref<125x80xi32, #tpu.memory_space<hbm>>) target(%arg7 : memref<125x80xi32, #tpu.memory_space<vmem>>) target_semaphore(%run_scoped3A : memref<!tpu.dma_semaphore, #tpu.memory_space<semaphore_mem>>)
      %dma_wait3A = arith.constant 0 : i32
      %dma_wait3A_18 = arith.constant 0 : i32
      %dma_wait3A_19 = tpu.memref_slice %arg3[%add3A, %dma_wait3A, %dma_wait3A_18] : memref<32x125x80xi32, #tpu.memory_space<hbm>> -> memref<1x125x80xi32, #tpu.memory_space<hbm>>
      %dma_wait3A_20 = tpu.memref_squeeze %dma_wait3A_19 : memref<1x125x80xi32, #tpu.memory_space<hbm>> -> memref<125x80xi32, #tpu.memory_space<hbm>>
      %dma_wait3A_21 = arith.constant 0 : i32
      %dma_wait3A_22 = arith.constant 0 : i32
      %dma_wait3A_23 = tpu.memref_slice %arg3[%add3A, %dma_wait3A_21, %dma_wait3A_22] : memref<32x125x80xi32, #tpu.memory_space<hbm>> -> memref<1x125x80xi32, #tpu.memory_space<hbm>>
      %dma_wait3A_24 = tpu.memref_squeeze %dma_wait3A_23 : memref<1x125x80xi32, #tpu.memory_space<hbm>> -> memref<125x80xi32, #tpu.memory_space<hbm>>
      tpu.wait_dma2 semaphore(%run_scoped3A : memref<!tpu.dma_semaphore, #tpu.memory_space<semaphore_mem>>) src(%dma_wait3A_24 : memref<125x80xi32, #tpu.memory_space<hbm>>) dst(%arg7 : memref<125x80xi32, #tpu.memory_space<vmem>>)
      tpu.yield
    }) : () -> ()
    "tpu.region"() ({
      %run_scoped3A = tpu.sem_alloc : memref<!tpu.dma_semaphore, #tpu.memory_space<semaphore_mem>>
      %dma_start3A = arith.constant 0 : i32
      %dma_start3A_11 = arith.constant 0 : i32
      %dma_start3A_12 = tpu.memref_slice %arg4[%add3A, %dma_start3A, %dma_start3A_11] : memref<32x125x80xi32, #tpu.memory_space<hbm>> -> memref<1x125x80xi32, #tpu.memory_space<hbm>>
      %dma_start3A_13 = tpu.memref_squeeze %dma_start3A_12 : memref<1x125x80xi32, #tpu.memory_space<hbm>> -> memref<125x80xi32, #tpu.memory_space<hbm>>
      %dma_start3A_14 = arith.constant 0 : i32
      %dma_start3A_15 = arith.constant 0 : i32
      %dma_start3A_16 = tpu.memref_slice %arg4[%add3A, %dma_start3A_14, %dma_start3A_15] : memref<32x125x80xi32, #tpu.memory_space<hbm>> -> memref<1x125x80xi32, #tpu.memory_space<hbm>>
      %dma_start3A_17 = tpu.memref_squeeze %dma_start3A_16 : memref<1x125x80xi32, #tpu.memory_space<hbm>> -> memref<125x80xi32, #tpu.memory_space<hbm>>
      tpu.enqueue_dma source(%dma_start3A_17 : memref<125x80xi32, #tpu.memory_space<hbm>>) target(%arg8 : memref<125x80xi32, #tpu.memory_space<vmem>>) target_semaphore(%run_scoped3A : memref<!tpu.dma_semaphore, #tpu.memory_space<semaphore_mem>>)
      %dma_wait3A = arith.constant 0 : i32
      %dma_wait3A_18 = arith.constant 0 : i32
      %dma_wait3A_19 = tpu.memref_slice %arg4[%add3A, %dma_wait3A, %dma_wait3A_18] : memref<32x125x80xi32, #tpu.memory_space<hbm>> -> memref<1x125x80xi32, #tpu.memory_space<hbm>>
      %dma_wait3A_20 = tpu.memref_squeeze %dma_wait3A_19 : memref<1x125x80xi32, #tpu.memory_space<hbm>> -> memref<125x80xi32, #tpu.memory_space<hbm>>
      %dma_wait3A_21 = arith.constant 0 : i32
      %dma_wait3A_22 = arith.constant 0 : i32
      %dma_wait3A_23 = tpu.memref_slice %arg4[%add3A, %dma_wait3A_21, %dma_wait3A_22] : memref<32x125x80xi32, #tpu.memory_space<hbm>> -> memref<1x125x80xi32, #tpu.memory_space<hbm>>
      %dma_wait3A_24 = tpu.memref_squeeze %dma_wait3A_23 : memref<1x125x80xi32, #tpu.memory_space<hbm>> -> memref<125x80xi32, #tpu.memory_space<hbm>>
      tpu.wait_dma2 semaphore(%run_scoped3A : memref<!tpu.dma_semaphore, #tpu.memory_space<semaphore_mem>>) src(%dma_wait3A_24 : memref<125x80xi32, #tpu.memory_space<hbm>>) dst(%arg8 : memref<125x80xi32, #tpu.memory_space<vmem>>)
      tpu.yield
    }) : () -> ()
    %scan3A = arith.constant 0 : i32
    %scan3A_3 = arith.constant 125 : i32
    %scan3A_4 = arith.addi %scan3A, %scan3A_3 : i32
    %scan3A_5 = arith.constant 1 : i32
    scf.for %scan3A_11 = %scan3A to %scan3A_4 step %scan3A_5  : i32 {
      %mul3A_12 = arith.constant 1 : i32
      %mul3A_13 = arith.muli %scan3A_11, %mul3A_12 : i32
      %add3A_14 = arith.constant 0 : i32
      %add3A_15 = arith.addi %add3A_14, %mul3A_13 : i32
      %dma_start3A = arith.constant 0 : i32
      %dma_start3A_16 = tpu.memref_slice %arg7[%add3A_15, %dma_start3A] : memref<125x80xi32, #tpu.memory_space<vmem>> -> memref<1x80xi32, #tpu.memory_space<vmem>>
      %dma_start3A_17 = tpu.memref_squeeze %dma_start3A_16 : memref<1x80xi32, #tpu.memory_space<vmem>> -> memref<80xi32, #tpu.memory_space<vmem>>
      %dma_start3A_18 = arith.constant 0 : i32
      %dma_start3A_19 = arith.constant 0 : i32
      %dma_start3A_20 = tpu.memref_slice %arg2[%dma_start3A_18, %dma_start3A_19] : memref<10240x128xf32, #tpu.memory_space<hbm>> -> memref<10240x128xf32, #tpu.memory_space<hbm>>
      tpu.enqueue_indirect_dma source(%dma_start3A_20 : memref<10240x128xf32, #tpu.memory_space<hbm>>) target(%arg9 : memref<80x128xf32, #tpu.memory_space<vmem>>) offsets(%dma_start3A_17 : memref<80xi32, #tpu.memory_space<vmem>>) semaphore(%arg11 : memref<!tpu.dma_semaphore, #tpu.memory_space<semaphore_mem>>)
      %dma_wait3A = arith.constant 0 : i32
      %dma_wait3A_21 = tpu.memref_slice %arg7[%add3A_15, %dma_wait3A] : memref<125x80xi32, #tpu.memory_space<vmem>> -> memref<1x80xi32, #tpu.memory_space<vmem>>
      %dma_wait3A_22 = tpu.memref_squeeze %dma_wait3A_21 : memref<1x80xi32, #tpu.memory_space<vmem>> -> memref<80xi32, #tpu.memory_space<vmem>>
      %dma_wait3A_23 = arith.constant 0 : i32
      %dma_wait3A_24 = arith.constant 0 : i32
      %dma_wait3A_25 = tpu.memref_slice %arg2[%dma_wait3A_23, %dma_wait3A_24] : memref<10240x128xf32, #tpu.memory_space<hbm>> -> memref<10240x128xf32, #tpu.memory_space<hbm>>
      tpu.wait_indirect_dma semaphore(%arg11 : memref<!tpu.dma_semaphore, #tpu.memory_space<semaphore_mem>>) src(%dma_wait3A_25 : memref<10240x128xf32, #tpu.memory_space<hbm>>) dst(%arg9 : memref<80x128xf32, #tpu.memory_space<vmem>>)
      "tpu.region"() ({
        %run_scoped3A = tpu.sem_alloc : memref<!tpu.dma_semaphore, #tpu.memory_space<semaphore_mem>>
        %dma_start3A_26 = arith.constant 0 : i32
        %dma_start3A_27 = tpu.memref_slice %arg8[%add3A_15, %dma_start3A_26] : memref<125x80xi32, #tpu.memory_space<vmem>> -> memref<1x80xi32, #tpu.memory_space<vmem>>
        %dma_start3A_28 = tpu.memref_squeeze %dma_start3A_27 : memref<1x80xi32, #tpu.memory_space<vmem>> -> memref<80xi32, #tpu.memory_space<vmem>>
        %dma_start3A_29 = arith.constant 0 : i32
        %dma_start3A_30 = arith.constant 0 : i32
        %dma_start3A_31 = tpu.memref_slice %arg10[%dma_start3A_29, %dma_start3A_30] : memref<10240x128xf32, #tpu.memory_space<vmem_shared>> -> memref<10240x128xf32, #tpu.memory_space<vmem_shared>>
        tpu.enqueue_indirect_dma source(%arg9 : memref<80x128xf32, #tpu.memory_space<vmem>>) target(%dma_start3A_31 : memref<10240x128xf32, #tpu.memory_space<vmem_shared>>) offsets(%dma_start3A_28 : memref<80xi32, #tpu.memory_space<vmem>>) semaphore(%run_scoped3A : memref<!tpu.dma_semaphore, #tpu.memory_space<semaphore_mem>>) {add = true}
        %dma_wait3A_32 = arith.constant 0 : i32
        %dma_wait3A_33 = tpu.memref_slice %arg8[%add3A_15, %dma_wait3A_32] : memref<125x80xi32, #tpu.memory_space<vmem>> -> memref<1x80xi32, #tpu.memory_space<vmem>>
        %dma_wait3A_34 = tpu.memref_squeeze %dma_wait3A_33 : memref<1x80xi32, #tpu.memory_space<vmem>> -> memref<80xi32, #tpu.memory_space<vmem>>
        %dma_wait3A_35 = arith.constant 0 : i32
        %dma_wait3A_36 = arith.constant 0 : i32
        %dma_wait3A_37 = tpu.memref_slice %arg10[%dma_wait3A_35, %dma_wait3A_36] : memref<10240x128xf32, #tpu.memory_space<vmem_shared>> -> memref<10240x128xf32, #tpu.memory_space<vmem_shared>>
        tpu.wait_indirect_dma semaphore(%run_scoped3A : memref<!tpu.dma_semaphore, #tpu.memory_space<semaphore_mem>>) src(%arg9 : memref<80x128xf32, #tpu.memory_space<vmem>>) dst(%dma_wait3A_37 : memref<10240x128xf32, #tpu.memory_space<vmem_shared>>)
        tpu.yield
      }) : () -> ()
    }
    %scan3A_6 = arith.constant 125 : i32
    %barrier3A_7 = arith.constant 0 : index
    tpu.barrier barrier_id(%barrier3A_7)
    %mul3A_8 = arith.constant 10240 : i32
    %mul3A_9 = arith.muli %arg0, %mul3A_8 : i32
    %add3A_10 = arith.addi %mul3A_9, %mul3A_2 : i32
    "tpu.region"() ({
      %run_scoped3A = tpu.sem_alloc : memref<!tpu.dma_semaphore, #tpu.memory_space<semaphore_mem>>
      %dma_start3A = arith.constant 0 : i32
      %dma_start3A_11 = tpu.memref_slice %arg6[%add3A_10, %dma_start3A] : memref<20480x128xf32, #tpu.memory_space<hbm>> -> memref<640x128xf32, #tpu.memory_space<hbm>>
      %dma_start3A_12 = arith.constant 0 : i32
      %dma_start3A_13 = tpu.memref_slice %arg10[%mul3A_2, %dma_start3A_12] : memref<10240x128xf32, #tpu.memory_space<vmem_shared>> -> memref<640x128xf32, #tpu.memory_space<vmem_shared>>
      tpu.enqueue_dma source(%dma_start3A_13 : memref<640x128xf32, #tpu.memory_space<vmem_shared>>) target(%dma_start3A_11 : memref<640x128xf32, #tpu.memory_space<hbm>>) target_semaphore(%run_scoped3A : memref<!tpu.dma_semaphore, #tpu.memory_space<semaphore_mem>>)
      %dma_wait3A = arith.constant 0 : i32
      %dma_wait3A_14 = tpu.memref_slice %arg6[%add3A_10, %dma_wait3A] : memref<20480x128xf32, #tpu.memory_space<hbm>> -> memref<640x128xf32, #tpu.memory_space<hbm>>
      %dma_wait3A_15 = arith.constant 0 : i32
      %dma_wait3A_16 = tpu.memref_slice %arg10[%mul3A_2, %dma_wait3A_15] : memref<10240x128xf32, #tpu.memory_space<vmem_shared>> -> memref<640x128xf32, #tpu.memory_space<vmem_shared>>
      tpu.wait_dma2 semaphore(%run_scoped3A : memref<!tpu.dma_semaphore, #tpu.memory_space<semaphore_mem>>) src(%dma_wait3A_16 : memref<640x128xf32, #tpu.memory_space<vmem_shared>>) dst(%dma_wait3A_14 : memref<640x128xf32, #tpu.memory_space<hbm>>)
      tpu.yield
    }) : () -> ()
    return
  }
}

module attributes {stable_mosaic.version = 14 : i64} {
  func.func @_scale_body(%arg0: i32, %arg1: memref<128x128xf32, #tpu.memory_space<vmem>>, %arg2: memref<128x128xf32, #tpu.memory_space<vmem>>, %arg3: memref<128x128xf32, #tpu.memory_space<vmem>>, %arg4: memref<128x128xf32, #tpu.memory_space<vmem>>) attributes {dimension_semantics = [#tpu.dimension_semantics<arbitrary>], iteration_bounds = array<i64: 80>, scalar_prefetch = 0 : i64, scratch_operands = 0 : i64, tpu.core_type = #tpu.core_type<tc>, window_params = [{transform_indices = @transform_0, window_bounds = array<i64: 128, 128>}, {transform_indices = @transform_1, window_bounds = array<i64: 128, 128>}, {transform_indices = @transform_2, window_bounds = array<i64: 128, 128>}, {transform_indices = @transform_3, window_bounds = array<i64: 128, 128>}]} {
    %get3A = arith.constant 0 : index
    %get3A_0 = arith.constant 0 : index
    %get3A_1 = vector.load %arg1[%get3A, %get3A_0] : memref<128x128xf32, #tpu.memory_space<vmem>>, vector<128x1xf32>
    %get3A_2 = arith.constant 0 : index
    %get3A_3 = arith.constant 0 : index
    %get3A_4 = vector.load %arg2[%get3A_2, %get3A_3] : memref<128x128xf32, #tpu.memory_space<vmem>>, vector<128x1xf32>
    %add3A = arith.addf %get3A_1, %get3A_4 : vector<128x1xf32>
    %add3A_5 = arith.constant 1.000000e+00 : f32
    %add3A_6 = vector.broadcast %add3A_5 : f32 to vector<128x1xf32>
    %add3A_7 = arith.addf %add3A, %add3A_6 : vector<128x1xf32>
    %get3A_8 = arith.constant 0 : index
    %get3A_9 = arith.constant 0 : index
    %get3A_10 = vector.load %arg3[%get3A_8, %get3A_9] : memref<128x128xf32, #tpu.memory_space<vmem>>, vector<128x128xf32>
    %rsqrt3A = math.rsqrt %add3A_7 : vector<128x1xf32>
    %mul3A = vector.broadcast %rsqrt3A : vector<128x1xf32> to vector<128x128xf32>
    %mul3A_11 = arith.mulf %get3A_10, %mul3A : vector<128x128xf32>
    %swap3A = arith.constant 0 : index
    %swap3A_12 = arith.constant 0 : index
    %swap3A_13 = vector.load %arg4[%swap3A, %swap3A_12] : memref<128x128xf32, #tpu.memory_space<vmem>>, vector<128x128xf32>
    tpu.vector_store %arg4[%swap3A, %swap3A_12], %mul3A_11 {strides = array<i32>} : memref<128x128xf32, #tpu.memory_space<vmem>>, vector<128x128xf32>,
    return
  }
  func.func @transform_0(%arg0: i32) -> (i32, i32) {
    %c0_i32 = arith.constant 0 : i32
    %c0_i32_0 = arith.constant 0 : i32
    return %arg0, %c0_i32 : i32, i32
  }
  func.func @transform_1(%arg0: i32) -> (i32, i32) {
    %c0_i32 = arith.constant 0 : i32
    %c0_i32_0 = arith.constant 0 : i32
    return %arg0, %c0_i32 : i32, i32
  }
  func.func @transform_2(%arg0: i32) -> (i32, i32) {
    %c0_i32 = arith.constant 0 : i32
    %c0_i32_0 = arith.constant 0 : i32
    return %arg0, %c0_i32 : i32, i32
  }
  func.func @transform_3(%arg0: i32) -> (i32, i32) {
    %c0_i32 = arith.constant 0 : i32
    %c0_i32_0 = arith.constant 0 : i32
    return %arg0, %c0_i32 : i32, i32
  }
}

module attributes {stable_mosaic.version = 14 : i64} {
  func.func @_dense_body(%arg0: i32, %arg1: memref<128x128xf32, #tpu.memory_space<vmem>>, %arg2: memref<128x128xf32, #tpu.memory_space<vmem>>, %arg3: memref<128x128xf32, #tpu.memory_space<vmem>>, %arg4: memref<128x128xf32, #tpu.memory_space<vmem>>, %arg5: memref<128x128xf32, #tpu.memory_space<vmem>>, %arg6: memref<128x1xi32, #tpu.memory_space<vmem>>, %arg7: memref<128x128xf32, #tpu.memory_space<vmem>>, %arg8: memref<1x128xf32, #tpu.memory_space<vmem>>, %arg9: memref<128x128xf32, #tpu.memory_space<vmem>>, %arg10: memref<1x128xf32, #tpu.memory_space<vmem>>, %arg11: memref<128x128xf32, #tpu.memory_space<vmem>>, %arg12: memref<128x128xf32, #tpu.memory_space<vmem>>, %arg13: memref<1x128xf32, #tpu.memory_space<vmem>>, %arg14: memref<128x64xf32, #tpu.memory_space<vmem>>, %arg15: memref<1x64xf32, #tpu.memory_space<vmem>>, %arg16: memref<64x128xf32, #tpu.memory_space<vmem>>, %arg17: memref<1x1xf32, #tpu.memory_space<vmem>>, %arg18: memref<64x128xf32, #tpu.memory_space<vmem>>, %arg19: memref<64x128xf32, #tpu.memory_space<vmem>>, %arg20: memref<64x128xf32, #tpu.memory_space<vmem>>) attributes {dimension_semantics = [#tpu.dimension_semantics<arbitrary>], iteration_bounds = array<i64: 80>, scalar_prefetch = 0 : i64, scratch_operands = 2 : i64, tpu.core_type = #tpu.core_type<tc>, window_params = [{transform_indices = @transform_0, window_bounds = array<i64: 128, 128>}, {transform_indices = @transform_1, window_bounds = array<i64: 128, 128>}, {transform_indices = @transform_2, window_bounds = array<i64: 128, 128>}, {transform_indices = @transform_3, window_bounds = array<i64: 128, 128>}, {transform_indices = @transform_4, window_bounds = array<i64: 128, 128>}, {transform_indices = @transform_5, window_bounds = array<i64: 128, 1>}, {pipeline_mode = #tpu.pipeline_mode<synchronous>, transform_indices = @transform_6, window_bounds = array<i64: 128, 128>}, {pipeline_mode = #tpu.pipeline_mode<synchronous>, transform_indices = @transform_7, window_bounds = array<i64: 1, 128>}, {pipeline_mode = #tpu.pipeline_mode<synchronous>, transform_indices = @transform_8, window_bounds = array<i64: 128, 128>}, {pipeline_mode = #tpu.pipeline_mode<synchronous>, transform_indices = @transform_9, window_bounds = array<i64: 1, 128>}, {pipeline_mode = #tpu.pipeline_mode<synchronous>, transform_indices = @transform_10, window_bounds = array<i64: 128, 128>}, {pipeline_mode = #tpu.pipeline_mode<synchronous>, transform_indices = @transform_11, window_bounds = array<i64: 128, 128>}, {pipeline_mode = #tpu.pipeline_mode<synchronous>, transform_indices = @transform_12, window_bounds = array<i64: 1, 128>}, {pipeline_mode = #tpu.pipeline_mode<synchronous>, transform_indices = @transform_13, window_bounds = array<i64: 128, 64>}, {pipeline_mode = #tpu.pipeline_mode<synchronous>, transform_indices = @transform_14, window_bounds = array<i64: 1, 64>}, {pipeline_mode = #tpu.pipeline_mode<synchronous>, transform_indices = @transform_15, window_bounds = array<i64: 64, 128>}, {pipeline_mode = #tpu.pipeline_mode<synchronous>, transform_indices = @transform_16, window_bounds = array<i64: 1, 1>}, {pipeline_mode = #tpu.pipeline_mode<synchronous>, transform_indices = @transform_17, window_bounds = array<i64: 64, 128>}]} {
    %eq3A = arith.constant 0 : i32
    %eq3A_0 = arith.cmpi eq, %arg0, %eq3A : i32
    %convert_element_type3A = arith.extui %eq3A_0 : i1 to i32
    %cond3A = arith.constant 0 : i32
    %cond3A_1 = arith.cmpi ne, %convert_element_type3A, %cond3A : i32
    scf.if %cond3A_1 {
      %broadcast_in_dim3A_95 = arith.constant 0.000000e+00 : f32
      %broadcast_in_dim3A_96 = vector.broadcast %broadcast_in_dim3A_95 : f32 to vector<64x128xf32>
      %swap3A_97 = arith.constant 0 : index
      %swap3A_98 = arith.constant 0 : index
      %swap3A_99 = vector.load %arg19[%swap3A_97, %swap3A_98] : memref<64x128xf32, #tpu.memory_space<vmem>>, vector<64x128xf32>
      tpu.vector_store %arg19[%swap3A_97, %swap3A_98], %broadcast_in_dim3A_96 {strides = array<i32>} : memref<64x128xf32, #tpu.memory_space<vmem>>, vector<64x128xf32>,
      %broadcast_in_dim3A_100 = arith.constant 0.000000e+00 : f32
      %broadcast_in_dim3A_101 = vector.broadcast %broadcast_in_dim3A_100 : f32 to vector<64x128xf32>
      %swap3A_102 = arith.constant 0 : index
      %swap3A_103 = arith.constant 0 : index
      %swap3A_104 = vector.load %arg20[%swap3A_102, %swap3A_103] : memref<64x128xf32, #tpu.memory_space<vmem>>, vector<64x128xf32>
      tpu.vector_store %arg20[%swap3A_102, %swap3A_103], %broadcast_in_dim3A_101 {strides = array<i32>} : memref<64x128xf32, #tpu.memory_space<vmem>>, vector<64x128xf32>,
    } else {
    }
    %get3A = arith.constant 0 : index
    %get3A_2 = arith.constant 0 : index
    %get3A_3 = vector.load %arg1[%get3A, %get3A_2] : memref<128x128xf32, #tpu.memory_space<vmem>>, vector<128x1xf32>
    %get3A_4 = arith.constant 0 : index
    %get3A_5 = arith.constant 0 : index
    %get3A_6 = vector.load %arg2[%get3A_4, %get3A_5] : memref<128x128xf32, #tpu.memory_space<vmem>>, vector<128x1xf32>
    %add3A = arith.addf %get3A_3, %get3A_6 : vector<128x1xf32>
    %add3A_7 = arith.constant 1.000000e+00 : f32
    %add3A_8 = vector.broadcast %add3A_7 : f32 to vector<128x1xf32>
    %add3A_9 = arith.addf %add3A, %add3A_8 : vector<128x1xf32>
    %rsqrt3A = math.rsqrt %add3A_9 : vector<128x1xf32>
    %get3A_10 = arith.constant 0 : index
    %get3A_11 = arith.constant 0 : index
    %get3A_12 = vector.load %arg3[%get3A_10, %get3A_11] : memref<128x128xf32, #tpu.memory_space<vmem>>, vector<128x128xf32>
    %get3A_13 = arith.constant 0 : index
    %get3A_14 = arith.constant 0 : index
    %get3A_15 = vector.load %arg4[%get3A_13, %get3A_14] : memref<128x128xf32, #tpu.memory_space<vmem>>, vector<128x128xf32>
    %add3A_16 = arith.addf %get3A_12, %get3A_15 : vector<128x128xf32>
    %get3A_17 = arith.constant 0 : index
    %get3A_18 = arith.constant 0 : index
    %get3A_19 = vector.load %arg5[%get3A_17, %get3A_18] : memref<128x128xf32, #tpu.memory_space<vmem>>, vector<128x128xf32>
    %add3A_20 = arith.addf %add3A_16, %get3A_19 : vector<128x128xf32>
    %mul3A = vector.broadcast %rsqrt3A : vector<128x1xf32> to vector<128x128xf32>
    %mul3A_21 = arith.mulf %add3A_20, %mul3A : vector<128x128xf32>
    %get3A_22 = arith.constant 0 : index
    %get3A_23 = arith.constant 0 : index
    %get3A_24 = vector.load %arg7[%get3A_22, %get3A_23] : memref<128x128xf32, #tpu.memory_space<vmem>>, vector<128x128xf32>
    %dot_general3A = arith.constant dense<0.000000e+00> : vector<128x128xf32>
    %dot_general3A_25 = tpu.matmul %mul3A_21, %get3A_24, %dot_general3A {dimension_numbers = #tpu.dot_dimension_numbers<[1], [0], [0], [1], [0, 0, 1, 1], [], []>, transpose_lhs_hint = false} : vector<128x128xf32>, vector<128x128xf32>, vector<128x128xf32> -> vector<128x128xf32>
    %get3A_26 = arith.constant 0 : index
    %get3A_27 = arith.constant 0 : index
    %get3A_28 = vector.load %arg8[%get3A_26, %get3A_27] : memref<1x128xf32, #tpu.memory_space<vmem>>, vector<1x128xf32>
    %add3A_29 = vector.broadcast %get3A_28 : vector<1x128xf32> to vector<128x128xf32>
    %add3A_30 = arith.addf %dot_general3A_25, %add3A_29 : vector<128x128xf32>
    %max3A = arith.constant 0.000000e+00 : f32
    %max3A_31 = vector.broadcast %max3A : f32 to vector<128x128xf32>
    %max3A_32 = arith.maximumf %add3A_30, %max3A_31 : vector<128x128xf32>
    %get3A_33 = arith.constant 0 : index
    %get3A_34 = arith.constant 0 : index
    %get3A_35 = vector.load %arg9[%get3A_33, %get3A_34] : memref<128x128xf32, #tpu.memory_space<vmem>>, vector<128x128xf32>
    %dot_general3A_36 = arith.constant dense<0.000000e+00> : vector<128x128xf32>
    %dot_general3A_37 = tpu.matmul %mul3A_21, %get3A_35, %dot_general3A_36 {dimension_numbers = #tpu.dot_dimension_numbers<[1], [0], [0], [1], [0, 0, 1, 1], [], []>, transpose_lhs_hint = false} : vector<128x128xf32>, vector<128x128xf32>, vector<128x128xf32> -> vector<128x128xf32>
    %get3A_38 = arith.constant 0 : index
    %get3A_39 = arith.constant 0 : index
    %get3A_40 = vector.load %arg10[%get3A_38, %get3A_39] : memref<1x128xf32, #tpu.memory_space<vmem>>, vector<1x128xf32>
    %add3A_41 = vector.broadcast %get3A_40 : vector<1x128xf32> to vector<128x128xf32>
    %add3A_42 = arith.addf %dot_general3A_37, %add3A_41 : vector<128x128xf32>
    %max3A_43 = arith.constant 0.000000e+00 : f32
    %max3A_44 = vector.broadcast %max3A_43 : f32 to vector<128x128xf32>
    %max3A_45 = arith.maximumf %add3A_42, %max3A_44 : vector<128x128xf32>
    %get3A_46 = arith.constant 0 : index
    %get3A_47 = arith.constant 0 : index
    %get3A_48 = vector.load %arg11[%get3A_46, %get3A_47] : memref<128x128xf32, #tpu.memory_space<vmem>>, vector<128x128xf32>
    %dot_general3A_49 = arith.constant dense<0.000000e+00> : vector<128x128xf32>
    %dot_general3A_50 = tpu.matmul %max3A_32, %get3A_48, %dot_general3A_49 {dimension_numbers = #tpu.dot_dimension_numbers<[1], [0], [0], [1], [0, 0, 1, 1], [], []>, transpose_lhs_hint = false} : vector<128x128xf32>, vector<128x128xf32>, vector<128x128xf32> -> vector<128x128xf32>
    %get3A_51 = arith.constant 0 : index
    %get3A_52 = arith.constant 0 : index
    %get3A_53 = vector.load %arg12[%get3A_51, %get3A_52] : memref<128x128xf32, #tpu.memory_space<vmem>>, vector<128x128xf32>
    %dot_general3A_54 = arith.constant dense<0.000000e+00> : vector<128x128xf32>
    %dot_general3A_55 = tpu.matmul %max3A_45, %get3A_53, %dot_general3A_54 {dimension_numbers = #tpu.dot_dimension_numbers<[1], [0], [0], [1], [0, 0, 1, 1], [], []>, transpose_lhs_hint = false} : vector<128x128xf32>, vector<128x128xf32>, vector<128x128xf32> -> vector<128x128xf32>
    %add3A_56 = arith.addf %dot_general3A_50, %dot_general3A_55 : vector<128x128xf32>
    %get3A_57 = arith.constant 0 : index
    %get3A_58 = arith.constant 0 : index
    %get3A_59 = vector.load %arg13[%get3A_57, %get3A_58] : memref<1x128xf32, #tpu.memory_space<vmem>>, vector<1x128xf32>
    %add3A_60 = vector.broadcast %get3A_59 : vector<1x128xf32> to vector<128x128xf32>
    %add3A_61 = arith.addf %add3A_56, %add3A_60 : vector<128x128xf32>
    %max3A_62 = arith.constant 0.000000e+00 : f32
    %max3A_63 = vector.broadcast %max3A_62 : f32 to vector<128x128xf32>
    %max3A_64 = arith.maximumf %add3A_61, %max3A_63 : vector<128x128xf32>
    %iota3A = tpu.iota {dimensions = array<i32: 1>} : vector<128x64xi32>
    %get3A_65 = arith.constant 0 : index
    %get3A_66 = arith.constant 0 : index
    %get3A_67 = vector.load %arg6[%get3A_65, %get3A_66] : memref<128x1xi32, #tpu.memory_space<vmem>>, vector<128x1xi32>
    %eq3A_68 = vector.broadcast %get3A_67 : vector<128x1xi32> to vector<128x64xi32>
    %eq3A_69 = arith.cmpi eq, %eq3A_68, %iota3A : vector<128x64xi32>
    %convert_element_type3A_70 = arith.extui %eq3A_69 : vector<128x64xi1> to vector<128x64xi32>
    %convert_element_type3A_71 = arith.sitofp %convert_element_type3A_70 : vector<128x64xi32> to vector<128x64xf32>
    %get3A_72 = arith.constant 0 : index
    %get3A_73 = arith.constant 0 : index
    %get3A_74 = vector.load %arg19[%get3A_72, %get3A_73] : memref<64x128xf32, #tpu.memory_space<vmem>>, vector<64x128xf32>
    %dot_general3A_75 = arith.constant dense<0.000000e+00> : vector<64x128xf32>
    %dot_general3A_76 = tpu.matmul %convert_element_type3A_71, %max3A_64, %dot_general3A_75 {dimension_numbers = #tpu.dot_dimension_numbers<[0], [0], [1], [1], [0, 1, 1, 1], [], []>, transpose_lhs_hint = false} : vector<128x64xf32>, vector<128x128xf32>, vector<64x128xf32> -> vector<64x128xf32>
    %add3A_77 = arith.addf %get3A_74, %dot_general3A_76 : vector<64x128xf32>
    %swap3A = arith.constant 0 : index
    %swap3A_78 = arith.constant 0 : index
    %swap3A_79 = vector.load %arg19[%swap3A, %swap3A_78] : memref<64x128xf32, #tpu.memory_space<vmem>>, vector<64x128xf32>
    tpu.vector_store %arg19[%swap3A, %swap3A_78], %add3A_77 {strides = array<i32>} : memref<64x128xf32, #tpu.memory_space<vmem>>, vector<64x128xf32>,
    %get3A_80 = arith.constant 0 : index
    %get3A_81 = arith.constant 0 : index
    %get3A_82 = vector.load %arg20[%get3A_80, %get3A_81] : memref<64x128xf32, #tpu.memory_space<vmem>>, vector<64x128xf32>
    %broadcast_in_dim3A = arith.constant 1.000000e+00 : f32
    %broadcast_in_dim3A_83 = vector.broadcast %broadcast_in_dim3A : f32 to vector<128x128xf32>
    %dot_general3A_84 = arith.constant dense<0.000000e+00> : vector<64x128xf32>
    %dot_general3A_85 = tpu.matmul %convert_element_type3A_71, %broadcast_in_dim3A_83, %dot_general3A_84 {dimension_numbers = #tpu.dot_dimension_numbers<[0], [0], [1], [1], [0, 1, 1, 1], [], []>, transpose_lhs_hint = false} : vector<128x64xf32>, vector<128x128xf32>, vector<64x128xf32> -> vector<64x128xf32>
    %add3A_86 = arith.addf %get3A_82, %dot_general3A_85 : vector<64x128xf32>
    %swap3A_87 = arith.constant 0 : index
    %swap3A_88 = arith.constant 0 : index
    %swap3A_89 = vector.load %arg20[%swap3A_87, %swap3A_88] : memref<64x128xf32, #tpu.memory_space<vmem>>, vector<64x128xf32>
    tpu.vector_store %arg20[%swap3A_87, %swap3A_88], %add3A_86 {strides = array<i32>} : memref<64x128xf32, #tpu.memory_space<vmem>>, vector<64x128xf32>,
    %eq3A_90 = arith.constant 79 : i32
    %eq3A_91 = arith.cmpi eq, %arg0, %eq3A_90 : i32
    %convert_element_type3A_92 = arith.extui %eq3A_91 : i1 to i32
    %cond3A_93 = arith.constant 0 : i32
    %cond3A_94 = arith.cmpi ne, %convert_element_type3A_92, %cond3A_93 : i32
    scf.if %cond3A_94 {
      %get3A_95 = arith.constant 0 : index
      %get3A_96 = arith.constant 0 : index
      %get3A_97 = vector.load %arg19[%get3A_95, %get3A_96] : memref<64x128xf32, #tpu.memory_space<vmem>>, vector<64x128xf32>
      %get3A_98 = arith.constant 0 : index
      %get3A_99 = arith.constant 0 : index
      %get3A_100 = vector.load %arg20[%get3A_98, %get3A_99] : memref<64x128xf32, #tpu.memory_space<vmem>>, vector<64x128xf32>
      %max3A_101 = arith.constant 1.000000e+00 : f32
      %max3A_102 = vector.broadcast %max3A_101 : f32 to vector<64x128xf32>
      %max3A_103 = arith.maximumf %get3A_100, %max3A_102 : vector<64x128xf32>
      %div3A = arith.divf %get3A_97, %max3A_103 : vector<64x128xf32>
      %get3A_104 = arith.constant 0 : index
      %get3A_105 = arith.constant 0 : index
      %get3A_106 = vector.load %arg14[%get3A_104, %get3A_105] : memref<128x64xf32, #tpu.memory_space<vmem>>, vector<128x64xf32>
      %dot_general3A_107 = arith.constant dense<0.000000e+00> : vector<64x64xf32>
      %dot_general3A_108 = tpu.matmul %div3A, %get3A_106, %dot_general3A_107 {dimension_numbers = #tpu.dot_dimension_numbers<[1], [0], [0], [1], [0, 0, 1, 1], [], []>, transpose_lhs_hint = false} : vector<64x128xf32>, vector<128x64xf32>, vector<64x64xf32> -> vector<64x64xf32>
      %get3A_109 = arith.constant 0 : index
      %get3A_110 = arith.constant 0 : index
      %get3A_111 = vector.load %arg15[%get3A_109, %get3A_110] : memref<1x64xf32, #tpu.memory_space<vmem>>, vector<1x64xf32>
      %add3A_112 = vector.broadcast %get3A_111 : vector<1x64xf32> to vector<64x64xf32>
      %add3A_113 = arith.addf %dot_general3A_108, %add3A_112 : vector<64x64xf32>
      %max3A_114 = arith.constant 0.000000e+00 : f32
      %max3A_115 = vector.broadcast %max3A_114 : f32 to vector<64x64xf32>
      %max3A_116 = arith.maximumf %add3A_113, %max3A_115 : vector<64x64xf32>
      %get3A_117 = arith.constant 0 : index
      %get3A_118 = arith.constant 0 : index
      %get3A_119 = vector.load %arg16[%get3A_117, %get3A_118] : memref<64x128xf32, #tpu.memory_space<vmem>>, vector<64x128xf32>
      %dot_general3A_120 = arith.constant dense<0.000000e+00> : vector<64x128xf32>
      %dot_general3A_121 = tpu.matmul %max3A_116, %get3A_119, %dot_general3A_120 {dimension_numbers = #tpu.dot_dimension_numbers<[1], [0], [0], [1], [0, 0, 1, 1], [], []>, transpose_lhs_hint = false} : vector<64x64xf32>, vector<64x128xf32>, vector<64x128xf32> -> vector<64x128xf32>
      %get3A_122 = arith.constant 0 : index
      %get3A_123 = arith.constant 0 : index
      %get3A_124 = vector.load %arg17[%get3A_122, %get3A_123] : memref<1x1xf32, #tpu.memory_space<vmem>>, vector<1x1xf32>
      %add3A_125 = vector.broadcast %get3A_124 : vector<1x1xf32> to vector<64x128xf32>
      %add3A_126 = arith.addf %dot_general3A_121, %add3A_125 : vector<64x128xf32>
      %swap3A_127 = arith.constant 0 : index
      %swap3A_128 = arith.constant 0 : index
      %swap3A_129 = vector.load %arg18[%swap3A_127, %swap3A_128] : memref<64x128xf32, #tpu.memory_space<vmem>>, vector<64x128xf32>
      tpu.vector_store %arg18[%swap3A_127, %swap3A_128], %add3A_126 {strides = array<i32>} : memref<64x128xf32, #tpu.memory_space<vmem>>, vector<64x128xf32>,
    } else {
    }
    return
  }
  func.func @transform_0(%arg0: i32) -> (i32, i32) {
    %c0_i32 = arith.constant 0 : i32
    %c0_i32_0 = arith.constant 0 : i32
    return %arg0, %c0_i32 : i32, i32
  }
  func.func @transform_1(%arg0: i32) -> (i32, i32) {
    %c0_i32 = arith.constant 0 : i32
    %c0_i32_0 = arith.constant 0 : i32
    return %arg0, %c0_i32 : i32, i32
  }
  func.func @transform_2(%arg0: i32) -> (i32, i32) {
    %c0_i32 = arith.constant 0 : i32
    %c0_i32_0 = arith.constant 0 : i32
    return %arg0, %c0_i32 : i32, i32
  }
  func.func @transform_3(%arg0: i32) -> (i32, i32) {
    %c0_i32 = arith.constant 0 : i32
    %c0_i32_0 = arith.constant 0 : i32
    return %arg0, %c0_i32 : i32, i32
  }
  func.func @transform_4(%arg0: i32) -> (i32, i32) {
    %c0_i32 = arith.constant 0 : i32
    %c0_i32_0 = arith.constant 0 : i32
    return %arg0, %c0_i32 : i32, i32
  }
  func.func @transform_5(%arg0: i32) -> (i32, i32) {
    %c0_i32 = arith.constant 0 : i32
    %c0_i32_0 = arith.constant 0 : i32
    return %arg0, %c0_i32 : i32, i32
  }
  func.func @transform_6(%arg0: i32) -> (i32, i32) {
    %c0_i32 = arith.constant 0 : i32
    %c0_i32_0 = arith.constant 0 : i32
    %c0_i32_1 = arith.constant 0 : i32
    return %c0_i32, %c0_i32_0 : i32, i32
  }
  func.func @transform_7(%arg0: i32) -> (i32, i32) {
    %c0_i32 = arith.constant 0 : i32
    %c0_i32_0 = arith.constant 0 : i32
    %c0_i32_1 = arith.constant 0 : i32
    return %c0_i32, %c0_i32_0 : i32, i32
  }
  func.func @transform_8(%arg0: i32) -> (i32, i32) {
    %c0_i32 = arith.constant 0 : i32
    %c0_i32_0 = arith.constant 0 : i32
    %c0_i32_1 = arith.constant 0 : i32
    return %c0_i32, %c0_i32_0 : i32, i32
  }
  func.func @transform_9(%arg0: i32) -> (i32, i32) {
    %c0_i32 = arith.constant 0 : i32
    %c0_i32_0 = arith.constant 0 : i32
    %c0_i32_1 = arith.constant 0 : i32
    return %c0_i32, %c0_i32_0 : i32, i32
  }
  func.func @transform_10(%arg0: i32) -> (i32, i32) {
    %c0_i32 = arith.constant 0 : i32
    %c0_i32_0 = arith.constant 0 : i32
    %c0_i32_1 = arith.constant 0 : i32
    return %c0_i32, %c0_i32_0 : i32, i32
  }
  func.func @transform_11(%arg0: i32) -> (i32, i32) {
    %c0_i32 = arith.constant 0 : i32
    %c0_i32_0 = arith.constant 0 : i32
    %c0_i32_1 = arith.constant 0 : i32
    return %c0_i32, %c0_i32_0 : i32, i32
  }
  func.func @transform_12(%arg0: i32) -> (i32, i32) {
    %c0_i32 = arith.constant 0 : i32
    %c0_i32_0 = arith.constant 0 : i32
    %c0_i32_1 = arith.constant 0 : i32
    return %c0_i32, %c0_i32_0 : i32, i32
  }
  func.func @transform_13(%arg0: i32) -> (i32, i32) {
    %c0_i32 = arith.constant 0 : i32
    %c0_i32_0 = arith.constant 0 : i32
    %c0_i32_1 = arith.constant 0 : i32
    return %c0_i32, %c0_i32_0 : i32, i32
  }
  func.func @transform_14(%arg0: i32) -> (i32, i32) {
    %c0_i32 = arith.constant 0 : i32
    %c0_i32_0 = arith.constant 0 : i32
    %c0_i32_1 = arith.constant 0 : i32
    return %c0_i32, %c0_i32_0 : i32, i32
  }
  func.func @transform_15(%arg0: i32) -> (i32, i32) {
    %c0_i32 = arith.constant 0 : i32
    %c0_i32_0 = arith.constant 0 : i32
    %c0_i32_1 = arith.constant 0 : i32
    return %c0_i32, %c0_i32_0 : i32, i32
  }
  func.func @transform_16(%arg0: i32) -> (i32, i32) {
    %c0_i32 = arith.constant 0 : i32
    %c0_i32_0 = arith.constant 0 : i32
    %c0_i32_1 = arith.constant 0 : i32
    return %c0_i32, %c0_i32_0 : i32, i32
  }
  func.func @transform_17(%arg0: i32) -> (i32, i32) {
    %c0_i32 = arith.constant 0 : i32
    %c0_i32_0 = arith.constant 0 : i32
    %c0_i32_1 = arith.constant 0 : i32
    return %c0_i32, %c0_i32_0 : i32, i32
  }
}

</mosaic_0001>

<sc_bundles>
// kernel: kernel.6.cloned.1.call-start
scs
__scs_entry_jumppad:
0x0: {  	(pc) =	sbr.rel $0x88, $3  }
0x1: {  	(tag) =	ssettag $0x0;
	lr =	simm.s32 $0x1  }
0x2: {  	[smem:$0x3F94] =	sst lr;
	_ =	strace $0xD0000000  }
0x3: {  	_ = 	snop  }
0x4: {  	_ = 	snop  }
0x5: {  	_ = 	snop  }
0x6: {  	_ = 	snop  }
0x7: {  	_ = 	snop  }
__scs_overlays_trampoline_lowered:
0x8: {  	[smem:$0x3FA3] =	sst s0  }
0x9: {  	[smem:$0x3FA4] =	sst s1  }
0xa: {  	[smem:$0x3FA5] =	sst s2  }
0xb: {  	[smem:$0x3FA6] =	sst s3  }
0xc: {  	[smem:$0x3FA7] =	sst s4  }
0xd: {  	[smem:$0x3FA8] =	sst s5  }
0xe: {  	[smem:$0x3FA9] =	sst s6  }
0xf: {  	[smem:$0x3FAA] =	sst s7  }
0x10: {  	[smem:$0x3FAB] =	sst s8  }
0x11: {  	[smem:$0x3FAC] =	sst s9;
	s0 =	simm.s32 @!p0 $0x0  }
0x12: {  	s1 =	sld [smem:$0x3F92];
	s0 =	simm.s32 @p0 $0x1  }
0x13: {  	[smem:$0x3FAD] =	sst s0;
	s0 =	simm.s32 @!p1 $0x0  }
0x14: {  	s2 =	sld [smem:$0x3F91];
	s0 =	simm.s32 @p1 $0x1  }
0x15: {  	[smem:$0x3FAE] =	sst s0;
	s0 =	simm.s32 @!p2 $0x0  }
0x16: {  	s3 =	sld [smem:$0x3FDB];
	s0 =	simm.s32 @p2 $0x1  }
0x17: {  	s4 =	simm.s32 $0x1BF5;
	[smem:$0x3FB0] =	sst s0  }
0x18: {  	s0 =	sld [smem:$0x3F93];
	_ =	swait.ge [sflag:s4], $0x0  }
0x19: {  	s7 =	sld [smem:$0x3F94]  }
0x1a: {  	s8 =	sadd.s32 $0xFFFFE003, lr  }
0x1b: {  	s9 =	sadd.s32 $0xFFFFFEF7, lr;
	s5 =	simm.s32 $0xFFFFFFFF;
	p2 =	slt.u32 s8, $0xFFFFF086  }
0x1c: {  	p1 =	slt.u32 s9, $0xF7A;
	s5 =	simm.s32 @!p2 $0x0  }
0x1d: {  	s5 =	simm.s32 @p1 $0x1;
	p0 =	seq.s32 s7, s2  }
0x1e: {  	s7 =	smul.u32 @!p0 $0xF7A, s2;
	p2 =	seq.s32 @!p0 s5, $0x0  }
0x1f: {  	s9 =	smul.u32 $0xF7A, s1;
	s8 =	simm.s32 @!p0 $0x1BF5;
	p2 =	por !p2, p0  }
0x20: {  	[sflag:s8] =	ssyncset.s32 @!p0 $0xFFFFF086;
	s6 =	sadd.s32 @!p0 s3, s7;
	s7 =	simm.s32 @!p0 $0x108  }
0x21: {  	s3 =	sadd.s32 s3, s9;
	s6 =	sadd.s32 @!p0 $0x88, s6;
	s7 =	simm.s32 @p2 $0x1082  }
0x22: {  	[simem:s7], [sflag:s8] =	dma.local @!p0 [hbm:s6], $0xF7A  }
0x23: {  	s9 =	sor.u32 $0xD0000000, s2;
	s6 =	simm.s32 $0x108;
	_ =	swait.ge @!p0 [sflag:s8], $0x0  }
0x24: {  	s3 =	sadd.s32 $0x88, s3;
	s6 =	simm.s32 @!p1 $0x1082;
	[sflag:s4] =	ssyncset.s32 $0xFFFFF086  }
0x25: {  	[simem:s6], [sflag:s4] =	dma.local [hbm:s3], $0xF7A  }
0x26: {  	[smem:$0x3F94] =	sst s1;
	(tag) =	ssettag s2;
	_ =	strace s9  }
0x27: {  	s1 =	sld [smem:$0x3FA4]  }
0x28: {  	s2 =	sld [smem:$0x3FA5]  }
0x29: {  	s4 =	sld [smem:$0x3FA7]  }
0x2a: {  	p0 =	seq.s32 s5, $0x0;
	s5 =	sld [smem:$0x3FA8]  }
0x2b: {  	s6 =	sld [smem:$0x3FA9]  }
0x2c: {  	s7 =	sld [smem:$0x3FAA]  }
0x2d: {  	s3 =	simm.s32 $0x108;
	s8 =	sld [smem:$0x3FAB]  }
0x2e: {  	s3 =	simm.s32 @!p0 $0x1082;
	s9 =	sld [smem:$0x3FAC]  }
0x2f: {  	lr =	sadd.s32 s0, s3;
	s0 =	sld [smem:$0x3FA3]  }
0x30: {  	s3 =	sld [smem:$0x3FA6]  }
0x31: {  	[smem:$0x3FAF] =	sst s10  }
0x32: {  	s10 =	sld [smem:$0x3FAD];
	_ =	sdelay $0x3  }
0x33: {  	p0 =	seq.s32 s10, $0x1;
	s10 =	sld [smem:$0x3FAF];
	_ =	sdelay $0x3  }
0x34: {  	[smem:$0x3FAF] =	sst s10  }
0x35: {  	s10 =	sld [smem:$0x3FAE];
	_ =	sdelay $0x3  }
0x36: {  	p1 =	seq.s32 s10, $0x1;
	s10 =	sld [smem:$0x3FAF];
	_ =	sdelay $0x3  }
0x37: {  	[smem:$0x3FAF] =	sst s10  }
0x38: {  	s10 =	sld [smem:$0x3FB0]  }
0x39: {  	_ = 	snop;
	(pc) =	sbr.ind lr, $3  }
0x3a: {  	_ = 	snop  }
0x3b: {  	_ = 	snop  }
0x3c: {  	p2 =	seq.s32 s10, $0x1;
	s10 =	sld [smem:$0x3FAF]  }
0x3d: {  	_ =	shalt  }
0x3e: {  	_ =	shalt  }
0x3f: {  	_ =	shalt  }
0x40: {  	_ =	shalt  }
0x41: {  	_ =	shalt  }
0x42: {  	_ =	shalt  }
0x43: {  	_ =	shalt  }
0x44: {  	_ =	shalt  }
0x45: {  	_ =	shalt  }
0x46: {  	_ =	shalt  }
0x47: {  	_ =	shalt  }
0x48: {  	_ =	shalt  }
0x49: {  	_ =	shalt  }
0x4a: {  	_ =	shalt  }
0x4b: {  	_ =	shalt  }
0x4c: {  	_ =	shalt  }
0x4d: {  	_ =	shalt  }
0x4e: {  	_ =	shalt  }
0x4f: {  	_ =	shalt  }
0x50: {  	_ =	shalt  }
0x51: {  	_ =	shalt  }
0x52: {  	_ =	shalt  }
0x53: {  	_ =	shalt  }
0x54: {  	_ =	shalt  }
0x55: {  	_ =	shalt  }
0x56: {  	_ =	shalt  }
0x57: {  	_ =	shalt  }
0x58: {  	_ =	shalt  }
0x59: {  	_ =	shalt  }
0x5a: {  	_ =	shalt  }
0x5b: {  	_ =	shalt  }
0x5c: {  	_ =	shalt  }
0x5d: {  	_ =	shalt  }
0x5e: {  	_ =	shalt  }
0x5f: {  	_ =	shalt  }
0x60: {  	_ =	shalt  }
0x61: {  	_ =	shalt  }
0x62: {  	_ =	shalt  }
0x63: {  	_ =	shalt  }
0x64: {  	_ =	shalt  }
0x65: {  	_ =	shalt  }
0x66: {  	_ =	shalt  }
0x67: {  	_ =	shalt  }
0x68: {  	_ =	shalt  }
0x69: {  	_ =	shalt  }
0x6a: {  	_ =	shalt  }
0x6b: {  	_ =	shalt  }
0x6c: {  	_ =	shalt  }
0x6d: {  	_ =	shalt  }
0x6e: {  	_ =	shalt  }
0x6f: {  	_ =	shalt  }
0x70: {  	_ =	shalt  }
0x71: {  	_ =	shalt  }
0x72: {  	_ =	shalt  }
0x73: {  	_ =	shalt  }
0x74: {  	_ =	shalt  }
0x75: {  	_ =	shalt  }
0x76: {  	_ =	shalt  }
0x77: {  	_ =	shalt  }
0x78: {  	_ =	shalt  }
0x79: {  	_ =	shalt  }
0x7a: {  	_ =	shalt  }
0x7b: {  	_ =	shalt  }
0x7c: {  	_ =	shalt  }
0x7d: {  	_ =	shalt  }
0x7e: {  	_ =	shalt  }
0x7f: {  	_ =	shalt  }
0x80: {  	_ =	shalt  }
0x81: {  	_ =	shalt  }
0x82: {  	_ =	shalt  }
0x83: {  	_ =	shalt  }
0x84: {  	_ =	shalt  }
0x85: {  	_ =	shalt  }
0x86: {  	_ =	shalt  }
0x87: {  	_ =	shalt  }
.Lfunc_end0:
.L_simem_size_0:
called_computation_lowered:
.L_overlay_start_0:
0x88: {  	s2 =	sld [smem:$0x3FD9]  }
0x89: {  	s3 =	sld [smem:$0x3FFE];
	_ =	sdelay $0x1  }
0x8a: {  	s1 =	srdreg.scid  }
0x8b: {  	s0 =	sand.u32 $0x1, s1  }
0x8c: {  	s16 =	sshll.u32 s0, $0xA;
	s2 =	sadd.s32 s3, s2  }
0x8d: {  	s2 =	sadd.s32 s2, s16  }
0x8e: {  	[smem:$0x3FBB] =	sst s2  }
0x8f: {  	_ = 	snop  }
0x90: {  	(tm) =	ssettm $0x1  }
0x91: {  	s17 =	sld [smem:$0x3FFB];
	_ =	sdelay $0x3  }
0x92: {  	_ =	strace s17  }
0x93: {  	s2 =	sld [smem:$0x3FFC];
	_ =	sdelay $0x3  }
0x94: {  	_ =	strace s2  }
0x95: {  	s2 =	sld [smem:$0x3FFD];
	_ =	sdelay $0x3  }
0x96: {  	_ =	strace s2  }
0x97: {  	_ =	strace $0x8FFFFFFF  }
0x98: {  	s18 =	sld [smem:$0x3FDB];
	_ =	sdelay $0x1  }
0x99: {  	s19 =	simm.s32 $_scs_section_size  }
0x9a: {  	s4 =	simm.s32 $_size__tile_overlayer_lowered;
	s5 =	simm.s32 $_tile_overlayer_lowered  }
0x9b: {  	s22 =	simm.s32 $0x1BFF;
	s21 =	sshll.u32 s5, $0x1;
	s2 =	sadd.s32 s19, s18  }
0x9c: {  	s6 =	simm.s32 $0x0;
	s20 =	sshll.u32 s4, $0x1;
	s4 =	sadd.s32 s21, s2  }
0x9d: {  	[timem:s6], [sflag:s22] =	dma.local [hbm:s4], s20  }
0x9e: {  	_ =	swait.ge [sflag:s22], s20  }
0x9f: {  	s3 =	ssub.s32 $0x0, s20;
	[sflag:s22] =	ssyncset.done $0x0  }
0xa0: {  	[sflag:s22] =	ssyncadd.s32 s3;
	_ =	sdelay $0x1  }
0xa1: {  	s23 =	simm.s32 $0x1B8B  }
0xa2: {  	_ =	swait.ge [sflag:s23], $0x1  }
0xa3: {  	[sflag:s23] =	ssyncset.done $0x0  }
0xa4: {  	s25 =	simm.s32 $0x1B8E;
	s24 =	sld [smem:$0x3FFE];
	[sflag:s23] =	ssyncadd.s32 $0xFFFFFFFF  }
0xa5: {  	s26 =	simm.s32 $execute0_lowered;
	[smem:$0x3FD2] =	sst s25  }
0xa6: {  	s4 =	sshll.u32 s26, $0x1;
	_ =	strace $0x80000046;
	[dreg:$0x1] =	wrdreg $0xFFFFFFFF  }
0xa7: {  	s28 =	simm.s32 $_size_execute0_lowered;
	s2 =	sadd.s32 s2, s4;
	[dreg:$0x0] =	wrdreg $0x0  }
0xa8: {  	s4 =	sshll.u32 s28, $0x1;
	[dreg:$0x2] =	wrdreg s2  }
0xa9: {  	[dreg:$0x3] =	wrdreg s4  }
0xaa: {  	[dreg:$0x4] =	wrdreg $0xC0  }
0xab: {  	_ =	task [dreg:s6], $0x5FFFF  }
0xac: {  	[dreg:$0x1] =	wrdreg $0xFFFFFFFF  }
0xad: {  	[dreg:$0x0] =	wrdreg $0x60  }
0xae: {  	[dreg:$0x2] =	wrdreg s24  }
0xaf: {  	[dreg:$0x3] =	wrdreg $0x68000  }
0xb0: {  	[dreg:$0x4] =	wrdreg $0x9  }
0xb1: {  	_ =	task.clear_ibuf [dreg:s6], $0x5FFFF;
	_ =	strace $0x90000046  }
0xb2: {  	s29 =	simm.s32 $0x9;
	_ =	strace $0x80000048  }
0xb3: {  	_ =	swait.ge [sflag:s29], $0x1  }
0xb4: {  	[sflag:s29] =	ssyncadd.s32 $0xFFFFFFFF  }
0xb5: {  	_ =	strace $0x90000048  }
0xb6: {  	_ =	sfence  }
0xb7: {  	s30 =	sld [smem:$0x0];
	_ =	sdelay $0x2  }
0xb8: {  	s31 =	sshll.u32 s1, $0xD;
	s1 =	sshrl.u32 s1, $0x2  }
0xb9: {  	s3 =	sand.u32 $0x4000, s31;
	s1 =	sadd.s32 s1, s30  }
0xba: {  	s0 =	sor.u32 s3, s0;
	s1 =	sshll.u32 s1, $0x11  }
0xbb: {  	s0 =	sor.u32 s1, s0  }
0xbc: {  	s0 =	sadd.s32 $0x8F2B, s0  }
0xbd: {  	[sflag:s0] =	ssyncadd.remote.s32 $0x1  }
0xbe: {  	_ =	sfence.sel $0xFFFF  }
0xbf: {  	[dreg:$0x0] =	wrdreg $0xFFFFFFFF;
	(pc) =	sbr.abs _section_cstart, $3  }
0xc0: {  	[dreg:$0x1] =	wrdreg $0xFFFFFFFF  }
0xc1: {  	_ =	task.clear_ibuf [dreg:s6], $0x2FFFF;
	_ =	strace $0x9FFFFFFF  }
0xc2: {  	(tm) =	ssettm $0x7FFFFFFF  }
0xc3: {  	_ =	shalt  }
tec
execute0_lowered:
.L_overlay_start_1:
0x0: {  	(tag) =	ssettag $0x1  }
0x1: {  	s5 =	rddreg [dreg:$0x0]  }
0x2: {  	s2 =	rddreg [dreg:$0x1]  }
0x3: {  	s0 =	rddreg [dreg:$0x2]  }
0x4: {  	s3 =	simm.s32 $0x0;
	s4 =	srdreg.scid;
	s1 =	stileid.u32  }
0x5: {  	s14 =	simm.s32 $0x0;
	[smem:$0x7FF] =	sst s3;
	s7 =	smul.u32 $0x2800, s1  }
0x6: {  	s6 =	sand.u32 $0x1, s4;
	s26 =	smul.u32 $0x50000, s1;
	s11 =	sshll.u32 s1, $0xC  }
0x7: {  	s31 =	sshll.u32 s1, $0x6;
	_ =	strace $0x80000047;
	s4 =	sshll.u32 s6, $0xB  }
0x8: {  	s8 =	smul.u32 $0x28000, s6;
	s6 =	ssub.s32 $0x2, s6;
	s9 =	sadd.s32 s4, s5  }
0x9: {  	s10 =	sadd.s32 s7, s5;
	s4 =	sadd.s32 $0x3A400, s5;
	s28 =	sshrl.u32 s6, $0x1  }
0xa: {  	s29 =	sshrl.u32 s26, $0x2;
	s7 =	sadd.s32 s7, s8;
	s12 =	ssub.s32 s6, s28  }
0xb: {  	s30 =	sadd.s32 s11, s9;
	s13 =	sadd.s32 s29, s2;
	s9 =	simm.s32 $0x4000  }
0xc: {  	s11 =	sor.u32 $0x1C01, s31;
	s7 =	sadd.s32 s7, s5;
	s5 =	sadd.s32 $0x12400, s10  }
0xd: {  	s6 =	sadd.s32 $0x2400, s30;
	s8 =	smax.u32 s12, $0x1;
	s10 =	simm.s32 $0x1  }
0xe: {  	s12 =	sshrl.u32 s13, $0x3;
	s13 =	simm.s32 $0x50;
	s7 =	sadd.s32 $0x3AA00, s7  }
.LBB2_1:
0xf: {  	[tilespmem:s9], [sflag:$0x1] =	stream.linear.gather [hbm4b:s4+s3], $0x2800, $0x38;
	[tilespmem:$0x1A800] =	vst v63  }
0x10: {  	_ =	swait.ge [sflag:s10], $0x2800  }
0x11: {  	[sflag:s10] =	ssyncset.done $0x0  }
0x12: {  	[sflag:s10] =	ssyncadd.s32 $0xFFFFD800  }
0x13: {  	[spmem:s12], [sflag:s11] =	dma.local [hbm:s5], $0x2800  }
0x14: {  	_ =	swait.ge [sflag:s10], $0x2800  }
0x15: {  	[sflag:s10] =	ssyncset.done $0x0  }
0x16: {  	[sflag:s10] =	ssyncadd.s32 $0xFFFFD800  }
0x17: {  	[bflag:$0x0] =	sbarrier.arrive $0xFFFF  }
0x18: {  	[tilespmem:s3], [sflag:$0x1] =	stream.linear.gather [hbm4b:s6+s3], $0x3E80, $0x38;
	[tilespmem:$0x1A800] =	vst v63  }
0x19: {  	_ =	swait.ge [sflag:s10], $0x3E80  }
0x1a: {  	[sflag:s10] =	ssyncset.done $0x0  }
0x1b: {  	s15 =	simm.s32 $0x0;
	[sflag:s10] =	ssyncadd.s32 $0xFFFFC180  }
0x1c: {  	[spmem:s2] =	stream.indirect.scatter.add.f32 [tilespmem:s9], [sflag:$0x1], $0x80, s15, s13, $0xb8;
	[tilespmem:$0x1A800] =	vst v63  }
0x1d: {  	_ =	swait.ge [sflag:s10], $0x2800  }
0x1e: {  	s15 =	simm.s32 $0x200;
	[sflag:s10] =	ssyncset.done $0x0  }
.LBB2_2:
0x1f: {  	s16 =	sshra.s32 s15, $0x2;
	[sflag:s10] =	ssyncadd.s32 $0xFFFFD800;
	p0 =	sne.s32 s15, $0xF800  }
0x20: {  	[spmem:s2] =	stream.indirect.scatter.add.f32 [tilespmem:s9], [sflag:$0x1], $0x80, s16, s13, $0xb8;
	[tilespmem:$0x1A800] =	vst v63  }
.Ltmp0:
0x21: {  	_ = 	snop;
	(pc) =	sbr.rel @p0 .LBB2_2-.Ltmp0, $4  }
0x22: {  	_ = 	snop  }
0x23: {  	s15 =	sadd.s32 $0x200, s15  }
0x24: {  	_ =	swait.ge [sflag:s10], $0x2800  }
0x25: {  	[sflag:s10] =	ssyncset.done $0x0  }
0x26: {  	s14 =	sadd.s32 $0x1, s14  }
0x27: {  	[sflag:s10] =	ssyncadd.s32 $0xFFFFD800;
	p0 =	sne.s32 s14, s8  }
.Ltmp1:
0x28: {  	[bflag:$0x0] =	sbarrier.arrive $0xFFFF;
	(pc) =	sbr.rel @p0 .LBB2_1-.Ltmp1, $4  }
0x29: {  	[hbm:s7], [sflag:s11] =	dma.local [spmem:s12], $0x2800  }
0x2a: {  	_ =	swait.ge [sflag:s10], $0x2800  }
0x2b: {  	[sflag:s10] =	ssyncset.done $0x0  }
0x2c: {  	[sflag:s10] =	ssyncadd.s32 $0xFFFFD800  }
0x2d: {  	_ =	sfence.sel $0x180000  }
0x2e: {  	[bflag:$0x0] =	sbarrier.arrive $0xFFFF  }
0x2f: {  	p0 =	sne.s32 s1, $0x0;
	_ =	strace $0x90000047  }
0x30: {  	s0 =	sadd.s32 @!p0 $0x100000, s0;
	[bflag:$0x2] =	sbarrier.arrive $0xFFFF  }
0x31: {  	[sflag:s0] =	ssyncadd.tile.s32 @!p0 $0x1;
	_ =	shalt  }
.Lfunc_end2:
_tile_overlayer_lowered:
.L_overlay_start_2:
0x32: {  	(tag) =	ssettag $0x2  }
0x33: {  	s0 =	rddreg [dreg:$0x0];
	s2 =	stileid.u32  }
0x34: {  	s1 =	rddreg [dreg:$0x1];
	p0 =	sne.s32 s2, $0x0  }
0x35: {  	s3 =	rddreg [dreg:$0x2];
	[bflag:$0x3] =	sbarrier.arrive $0xFFFF;
	s2 =	simm.s32 @!p0 $0x1C01  }
0x36: {  	[timem:s3], [sflag:s2] =	dma.local @!p0 [hbm:s0], s1  }
0x37: {  	s0 =	simm.s32 @!p0 $0x1  }
0x38: {  	_ =	swait.ge @!p0 [sflag:s0], s1  }
0x39: {  	s1 =	ssub.s32 @!p0 $0x0, s1;
	[sflag:s0] =	ssyncset.done @!p0 $0x0  }
0x3a: {  	[sflag:s0] =	ssyncadd.s32 @!p0 s1  }
0x3b: {  	[bflag:$0x3] =	sbarrier.arrive $0xFFFF  }
0x3c: {  	_ =	shalt  }

// kernel: kernel.9.cloned.1.call-start
scs
__scs_entry_jumppad:
0x0: {  	(pc) =	sbr.rel $0x88, $3  }
0x1: {  	(tag) =	ssettag $0x0;
	lr =	simm.s32 $0x1  }
0x2: {  	[smem:$0x3F94] =	sst lr;
	_ =	strace $0xD0000000  }
0x3: {  	_ = 	snop  }
0x4: {  	_ = 	snop  }
0x5: {  	_ = 	snop  }
0x6: {  	_ = 	snop  }
0x7: {  	_ = 	snop  }
__scs_overlays_trampoline_lowered:
0x8: {  	[smem:$0x3FA3] =	sst s0  }
0x9: {  	[smem:$0x3FA4] =	sst s1  }
0xa: {  	[smem:$0x3FA5] =	sst s2  }
0xb: {  	[smem:$0x3FA6] =	sst s3  }
0xc: {  	[smem:$0x3FA7] =	sst s4  }
0xd: {  	[smem:$0x3FA8] =	sst s5  }
0xe: {  	[smem:$0x3FA9] =	sst s6  }
0xf: {  	[smem:$0x3FAA] =	sst s7  }
0x10: {  	[smem:$0x3FAB] =	sst s8  }
0x11: {  	[smem:$0x3FAC] =	sst s9;
	s0 =	simm.s32 @!p0 $0x0  }
0x12: {  	s1 =	sld [smem:$0x3F92];
	s0 =	simm.s32 @p0 $0x1  }
0x13: {  	[smem:$0x3FAD] =	sst s0;
	s0 =	simm.s32 @!p1 $0x0  }
0x14: {  	s2 =	sld [smem:$0x3F91];
	s0 =	simm.s32 @p1 $0x1  }
0x15: {  	[smem:$0x3FAE] =	sst s0;
	s0 =	simm.s32 @!p2 $0x0  }
0x16: {  	s3 =	sld [smem:$0x3FDB];
	s0 =	simm.s32 @p2 $0x1  }
0x17: {  	s4 =	simm.s32 $0x1BF5;
	[smem:$0x3FB0] =	sst s0  }
0x18: {  	s0 =	sld [smem:$0x3F93];
	_ =	swait.ge [sflag:s4], $0x0  }
0x19: {  	s7 =	sld [smem:$0x3F94]  }
0x1a: {  	s8 =	sadd.s32 $0xFFFFE003, lr  }
0x1b: {  	s9 =	sadd.s32 $0xFFFFFEF7, lr;
	s5 =	simm.s32 $0xFFFFFFFF;
	p2 =	slt.u32 s8, $0xFFFFF086  }
0x1c: {  	p1 =	slt.u32 s9, $0xF7A;
	s5 =	simm.s32 @!p2 $0x0  }
0x1d: {  	s5 =	simm.s32 @p1 $0x1;
	p0 =	seq.s32 s7, s2  }
0x1e: {  	s7 =	smul.u32 @!p0 $0xF7A, s2;
	p2 =	seq.s32 @!p0 s5, $0x0  }
0x1f: {  	s9 =	smul.u32 $0xF7A, s1;
	s8 =	simm.s32 @!p0 $0x1BF5;
	p2 =	por !p2, p0  }
0x20: {  	[sflag:s8] =	ssyncset.s32 @!p0 $0xFFFFF086;
	s6 =	sadd.s32 @!p0 s3, s7;
	s7 =	simm.s32 @!p0 $0x108  }
0x21: {  	s3 =	sadd.s32 s3, s9;
	s6 =	sadd.s32 @!p0 $0x88, s6;
	s7 =	simm.s32 @p2 $0x1082  }
0x22: {  	[simem:s7], [sflag:s8] =	dma.local @!p0 [hbm:s6], $0xF7A  }
0x23: {  	s9 =	sor.u32 $0xD0000000, s2;
	s6 =	simm.s32 $0x108;
	_ =	swait.ge @!p0 [sflag:s8], $0x0  }
0x24: {  	s3 =	sadd.s32 $0x88, s3;
	s6 =	simm.s32 @!p1 $0x1082;
	[sflag:s4] =	ssyncset.s32 $0xFFFFF086  }
0x25: {  	[simem:s6], [sflag:s4] =	dma.local [hbm:s3], $0xF7A  }
0x26: {  	[smem:$0x3F94] =	sst s1;
	(tag) =	ssettag s2;
	_ =	strace s9  }
0x27: {  	s1 =	sld [smem:$0x3FA4]  }
0x28: {  	s2 =	sld [smem:$0x3FA5]  }
0x29: {  	s4 =	sld [smem:$0x3FA7]  }
0x2a: {  	p0 =	seq.s32 s5, $0x0;
	s5 =	sld [smem:$0x3FA8]  }
0x2b: {  	s6 =	sld [smem:$0x3FA9]  }
0x2c: {  	s7 =	sld [smem:$0x3FAA]  }
0x2d: {  	s3 =	simm.s32 $0x108;
	s8 =	sld [smem:$0x3FAB]  }
0x2e: {  	s3 =	simm.s32 @!p0 $0x1082;
	s9 =	sld [smem:$0x3FAC]  }
0x2f: {  	lr =	sadd.s32 s0, s3;
	s0 =	sld [smem:$0x3FA3]  }
0x30: {  	s3 =	sld [smem:$0x3FA6]  }
0x31: {  	[smem:$0x3FAF] =	sst s10  }
0x32: {  	s10 =	sld [smem:$0x3FAD];
	_ =	sdelay $0x3  }
0x33: {  	p0 =	seq.s32 s10, $0x1;
	s10 =	sld [smem:$0x3FAF];
	_ =	sdelay $0x3  }
0x34: {  	[smem:$0x3FAF] =	sst s10  }
0x35: {  	s10 =	sld [smem:$0x3FAE];
	_ =	sdelay $0x3  }
0x36: {  	p1 =	seq.s32 s10, $0x1;
	s10 =	sld [smem:$0x3FAF];
	_ =	sdelay $0x3  }
0x37: {  	[smem:$0x3FAF] =	sst s10  }
0x38: {  	s10 =	sld [smem:$0x3FB0]  }
0x39: {  	_ = 	snop;
	(pc) =	sbr.ind lr, $3  }
0x3a: {  	_ = 	snop  }
0x3b: {  	_ = 	snop  }
0x3c: {  	p2 =	seq.s32 s10, $0x1;
	s10 =	sld [smem:$0x3FAF]  }
0x3d: {  	_ =	shalt  }
0x3e: {  	_ =	shalt  }
0x3f: {  	_ =	shalt  }
0x40: {  	_ =	shalt  }
0x41: {  	_ =	shalt  }
0x42: {  	_ =	shalt  }
0x43: {  	_ =	shalt  }
0x44: {  	_ =	shalt  }
0x45: {  	_ =	shalt  }
0x46: {  	_ =	shalt  }
0x47: {  	_ =	shalt  }
0x48: {  	_ =	shalt  }
0x49: {  	_ =	shalt  }
0x4a: {  	_ =	shalt  }
0x4b: {  	_ =	shalt  }
0x4c: {  	_ =	shalt  }
0x4d: {  	_ =	shalt  }
0x4e: {  	_ =	shalt  }
0x4f: {  	_ =	shalt  }
0x50: {  	_ =	shalt  }
0x51: {  	_ =	shalt  }
0x52: {  	_ =	shalt  }
0x53: {  	_ =	shalt  }
0x54: {  	_ =	shalt  }
0x55: {  	_ =	shalt  }
0x56: {  	_ =	shalt  }
0x57: {  	_ =	shalt  }
0x58: {  	_ =	shalt  }
0x59: {  	_ =	shalt  }
0x5a: {  	_ =	shalt  }
0x5b: {  	_ =	shalt  }
0x5c: {  	_ =	shalt  }
0x5d: {  	_ =	shalt  }
0x5e: {  	_ =	shalt  }
0x5f: {  	_ =	shalt  }
0x60: {  	_ =	shalt  }
0x61: {  	_ =	shalt  }
0x62: {  	_ =	shalt  }
0x63: {  	_ =	shalt  }
0x64: {  	_ =	shalt  }
0x65: {  	_ =	shalt  }
0x66: {  	_ =	shalt  }
0x67: {  	_ =	shalt  }
0x68: {  	_ =	shalt  }
0x69: {  	_ =	shalt  }
0x6a: {  	_ =	shalt  }
0x6b: {  	_ =	shalt  }
0x6c: {  	_ =	shalt  }
0x6d: {  	_ =	shalt  }
0x6e: {  	_ =	shalt  }
0x6f: {  	_ =	shalt  }
0x70: {  	_ =	shalt  }
0x71: {  	_ =	shalt  }
0x72: {  	_ =	shalt  }
0x73: {  	_ =	shalt  }
0x74: {  	_ =	shalt  }
0x75: {  	_ =	shalt  }
0x76: {  	_ =	shalt  }
0x77: {  	_ =	shalt  }
0x78: {  	_ =	shalt  }
0x79: {  	_ =	shalt  }
0x7a: {  	_ =	shalt  }
0x7b: {  	_ =	shalt  }
0x7c: {  	_ =	shalt  }
0x7d: {  	_ =	shalt  }
0x7e: {  	_ =	shalt  }
0x7f: {  	_ =	shalt  }
0x80: {  	_ =	shalt  }
0x81: {  	_ =	shalt  }
0x82: {  	_ =	shalt  }
0x83: {  	_ =	shalt  }
0x84: {  	_ =	shalt  }
0x85: {  	_ =	shalt  }
0x86: {  	_ =	shalt  }
0x87: {  	_ =	shalt  }
.Lfunc_end0:
.L_simem_size_0:
called_computation.1_lowered:
.L_overlay_start_0:
0x88: {  	s2 =	sld [smem:$0x3FD9]  }
0x89: {  	s3 =	sld [smem:$0x3FFE];
	_ =	sdelay $0x1  }
0x8a: {  	s1 =	srdreg.scid  }
0x8b: {  	s0 =	sand.u32 $0x1, s1  }
0x8c: {  	s16 =	sshll.u32 s0, $0xA;
	s2 =	sadd.s32 s3, s2  }
0x8d: {  	s2 =	sadd.s32 s2, s16  }
0x8e: {  	[smem:$0x3FBB] =	sst s2  }
0x8f: {  	_ = 	snop  }
0x90: {  	(tm) =	ssettm $0x1  }
0x91: {  	s17 =	sld [smem:$0x3FFB];
	_ =	sdelay $0x3  }
0x92: {  	_ =	strace s17  }
0x93: {  	s2 =	sld [smem:$0x3FFC];
	_ =	sdelay $0x3  }
0x94: {  	_ =	strace s2  }
0x95: {  	s2 =	sld [smem:$0x3FFD];
	_ =	sdelay $0x3  }
0x96: {  	_ =	strace s2  }
0x97: {  	_ =	strace $0x8FFFFFFF  }
0x98: {  	s18 =	sld [smem:$0x3FDB];
	_ =	sdelay $0x1  }
0x99: {  	s19 =	simm.s32 $_scs_section_size  }
0x9a: {  	s4 =	simm.s32 $_size__tile_overlayer_lowered;
	s5 =	simm.s32 $_tile_overlayer_lowered  }
0x9b: {  	s22 =	simm.s32 $0x1BFF;
	s21 =	sshll.u32 s5, $0x1;
	s2 =	sadd.s32 s19, s18  }
0x9c: {  	s6 =	simm.s32 $0x0;
	s20 =	sshll.u32 s4, $0x1;
	s4 =	sadd.s32 s21, s2  }
0x9d: {  	[timem:s6], [sflag:s22] =	dma.local [hbm:s4], s20  }
0x9e: {  	_ =	swait.ge [sflag:s22], s20  }
0x9f: {  	s3 =	ssub.s32 $0x0, s20;
	[sflag:s22] =	ssyncset.done $0x0  }
0xa0: {  	[sflag:s22] =	ssyncadd.s32 s3;
	_ =	sdelay $0x1  }
0xa1: {  	s23 =	simm.s32 $0x1B8B  }
0xa2: {  	_ =	swait.ge [sflag:s23], $0x1  }
0xa3: {  	[sflag:s23] =	ssyncset.done $0x0  }
0xa4: {  	s25 =	simm.s32 $0x1B8E;
	s24 =	sld [smem:$0x3FFE];
	[sflag:s23] =	ssyncadd.s32 $0xFFFFFFFF  }
0xa5: {  	s26 =	simm.s32 $execute0_lowered;
	[smem:$0x3FD2] =	sst s25  }
0xa6: {  	s4 =	sshll.u32 s26, $0x1;
	_ =	strace $0x80000049;
	[dreg:$0x1] =	wrdreg $0xFFFFFFFF  }
0xa7: {  	s28 =	simm.s32 $_size_execute0_lowered;
	s2 =	sadd.s32 s2, s4;
	[dreg:$0x0] =	wrdreg $0x0  }
0xa8: {  	s4 =	sshll.u32 s28, $0x1;
	[dreg:$0x2] =	wrdreg s2  }
0xa9: {  	[dreg:$0x3] =	wrdreg s4  }
0xaa: {  	[dreg:$0x4] =	wrdreg $0xC0  }
0xab: {  	_ =	task [dreg:s6], $0x5FFFF  }
0xac: {  	[dreg:$0x1] =	wrdreg $0xFFFFFFFF  }
0xad: {  	[dreg:$0x0] =	wrdreg $0x60  }
0xae: {  	[dreg:$0x2] =	wrdreg s24  }
0xaf: {  	[dreg:$0x3] =	wrdreg $0xA8000  }
0xb0: {  	[dreg:$0x4] =	wrdreg $0x9  }
0xb1: {  	_ =	task.clear_ibuf [dreg:s6], $0x5FFFF;
	_ =	strace $0x90000049  }
0xb2: {  	s29 =	simm.s32 $0x9;
	_ =	strace $0x8000004B  }
0xb3: {  	_ =	swait.ge [sflag:s29], $0x1  }
0xb4: {  	[sflag:s29] =	ssyncadd.s32 $0xFFFFFFFF  }
0xb5: {  	_ =	strace $0x9000004B  }
0xb6: {  	_ =	sfence  }
0xb7: {  	s30 =	sld [smem:$0x0];
	_ =	sdelay $0x2  }
0xb8: {  	s31 =	sshll.u32 s1, $0xD;
	s1 =	sshrl.u32 s1, $0x2  }
0xb9: {  	s3 =	sand.u32 $0x4000, s31;
	s1 =	sadd.s32 s1, s30  }
0xba: {  	s0 =	sor.u32 s3, s0;
	s1 =	sshll.u32 s1, $0x11  }
0xbb: {  	s0 =	sor.u32 s1, s0  }
0xbc: {  	s0 =	sadd.s32 $0x8F2B, s0  }
0xbd: {  	[sflag:s0] =	ssyncadd.remote.s32 $0x1  }
0xbe: {  	_ =	sfence.sel $0xFFFF  }
0xbf: {  	[dreg:$0x0] =	wrdreg $0xFFFFFFFF;
	(pc) =	sbr.abs _section_cstart, $3  }
0xc0: {  	[dreg:$0x1] =	wrdreg $0xFFFFFFFF  }
0xc1: {  	_ =	task.clear_ibuf [dreg:s6], $0x2FFFF;
	_ =	strace $0x9FFFFFFF  }
0xc2: {  	(tm) =	ssettm $0x7FFFFFFF  }
0xc3: {  	_ =	shalt  }
tec
execute0_lowered:
.L_overlay_start_1:
0x0: {  	(tag) =	ssettag $0x1  }
0x1: {  	s5 =	rddreg [dreg:$0x0]  }
0x2: {  	s1 =	rddreg [dreg:$0x1]  }
0x3: {  	s0 =	rddreg [dreg:$0x2]  }
0x4: {  	s3 =	simm.s32 $0x0;
	s4 =	srdreg.scid;
	s2 =	stileid.u32  }
0x5: {  	s15 =	simm.s32 $0x8000;
	s16 =	simm.s32 $0x1;
	s17 =	simm.s32 $0x0  }
0x6: {  	[smem:$0x7FF] =	sst s3;
	s6 =	sand.u32 $0x1, s4;
	s9 =	smul.u32 $0x2800, s2  }
0x7: {  	s7 =	sshll.u32 s2, $0xC;
	s4 =	sadd.s32 $0x3A400, s5;
	s28 =	smul.u32 $0x50000, s2  }
0x8: {  	s31 =	sshll.u32 s2, $0x6;
	_ =	strace $0x8000004A;
	s8 =	sshll.u32 s6, $0xB  }
0x9: {  	s26 =	smul.u32 $0x28000, s6;
	s6 =	ssub.s32 $0x2, s6;
	s7 =	sor.u32 s8, s7  }
0xa: {  	s11 =	sadd.s32 s9, s5;
	s29 =	sshrl.u32 s6, $0x1;
	s30 =	sshrl.u32 s28, $0x2  }
0xb: {  	s10 =	sadd.s32 s7, s5;
	s8 =	sadd.s32 s9, s26;
	s13 =	ssub.s32 s6, s29  }
0xc: {  	s14 =	sadd.s32 s30, s1;
	s6 =	sor.u32 $0x1C02, s31;
	s12 =	sadd.s32 s8, s5  }
0xd: {  	s5 =	sadd.s32 $0x12400, s11;
	s7 =	sadd.s32 $0x8AA00, s10;
	s8 =	sadd.s32 $0x2400, s10  }
0xe: {  	s10 =	smax.u32 s13, $0x1;
	s11 =	sshrl.u32 s14, $0x3;
	s13 =	simm.s32 $0x4000  }
0xf: {  	s14 =	simm.s32 $0x50;
	s9 =	sadd.s32 $0x9AA00, s12;
	s12 =	simm.s32 $0x2  }
.LBB2_1:
0x10: {  	[spmem:s11], [sflag:s6] =	dma.local [hbm:s5], $0x2800  }
0x11: {  	_ =	swait.ge [sflag:s12], $0x2800  }
0x12: {  	[sflag:s12] =	ssyncset.done $0x0  }
0x13: {  	[sflag:s12] =	ssyncadd.s32 $0xFFFFD800  }
0x14: {  	[bflag:$0x0] =	sbarrier.arrive $0xFFFF  }
0x15: {  	[tilespmem:s3], [sflag:$0x2] =	stream.linear.gather [hbm4b:s7+s3], $0x3E80, $0x38;
	[tilespmem:$0x1E800] =	vst v63  }
0x16: {  	_ =	swait.ge [sflag:s12], $0x3E80  }
0x17: {  	[sflag:s12] =	ssyncset.done $0x0  }
0x18: {  	[sflag:s12] =	ssyncadd.s32 $0xFFFFC180  }
0x19: {  	[tilespmem:s13], [sflag:$0x2] =	stream.linear.gather [hbm4b:s8+s3], $0x3E80, $0x38;
	[tilespmem:$0x1E800] =	vst v63  }
0x1a: {  	_ =	swait.ge [sflag:s12], $0x3E80  }
0x1b: {  	[sflag:s12] =	ssyncset.done $0x0  }
0x1c: {  	s18 =	simm.s32 $0x0;
	[sflag:s12] =	ssyncadd.s32 $0xFFFFC180  }
0x1d: {  	[tilespmem:s15], [sflag:$0x1] =	stream.indirect.gather [hbm4b:s4+s14], $0x80, s18, s14, $0xb8;
	[tilespmem:$0x1E800] =	vst v63  }
0x1e: {  	_ =	swait.ge [sflag:s16], $0x2800  }
0x1f: {  	[sflag:s16] =	ssyncset.done $0x0  }
0x20: {  	s31 =	simm.s32 $0x4000;
	[sflag:s16] =	ssyncadd.s32 $0xFFFFD800  }
0x21: {  	[spmem:s1] =	stream.indirect.scatter.add.f32 [tilespmem:s15], [sflag:$0x2], $0x80, s31, s14, $0xb8;
	[tilespmem:$0x1E800] =	vst v63  }
0x22: {  	_ =	swait.ge [sflag:s12], $0x2800  }
0x23: {  	s19 =	simm.s32 $0x400;
	s18 =	simm.s32 $0x200;
	[sflag:s12] =	ssyncset.done $0x0  }
.LBB2_2:
0x24: {  	s20 =	sshra.s32 s18, $0x2  }
0x25: {  	[sflag:s12] =	ssyncadd.s32 $0xFFFFD800;
	s18 =	smov.u32 s19;
	s21 =	sadd.s32 $0x200, s19  }
0x26: {  	[tilespmem:s15], [sflag:$0x1] =	stream.indirect.gather [hbm4b:s4+s14], $0x80, s20, s14, $0xb8;
	[tilespmem:$0x1E800] =	vst v63  }
0x27: {  	p0 =	sne.s32 s19, $0xF800;
	_ =	swait.ge [sflag:s16], $0x2800  }
.Ltmp0:
0x28: {  	[sflag:s16] =	ssyncset.done $0x0;
	(pc) =	sbr.rel @p0 .LBB2_2-.Ltmp0, $4  }
0x29: {  	s19 =	sadd.s32 $0x4000, s20;
	[sflag:s16] =	ssyncadd.s32 $0xFFFFD800  }
0x2a: {  	[spmem:s1] =	stream.indirect.scatter.add.f32 [tilespmem:s15], [sflag:$0x2], $0x80, s19, s14, $0xb8;
	[tilespmem:$0x1E800] =	vst v63  }
0x2b: {  	_ =	swait.ge [sflag:s12], $0x2800  }
0x2c: {  	s19 =	smov.u32 s21;
	[sflag:s12] =	ssyncset.done $0x0  }
0x2d: {  	s18 =	sshra.s32 s18, $0x2;
	[sflag:s12] =	ssyncadd.s32 $0xFFFFD800  }
0x2e: {  	[tilespmem:s15], [sflag:$0x1] =	stream.indirect.gather [hbm4b:s4+s14], $0x80, s18, s14, $0xb8;
	[tilespmem:$0x1E800] =	vst v63  }
0x2f: {  	_ =	swait.ge [sflag:s16], $0x2800  }
0x30: {  	[sflag:s16] =	ssyncset.done $0x0  }
0x31: {  	s18 =	sadd.s32 $0x4000, s18;
	[sflag:s16] =	ssyncadd.s32 $0xFFFFD800  }
0x32: {  	[spmem:s1] =	stream.indirect.scatter.add.f32 [tilespmem:s15], [sflag:$0x2], $0x80, s18, s14, $0xb8;
	[tilespmem:$0x1E800] =	vst v63  }
0x33: {  	_ =	swait.ge [sflag:s12], $0x2800  }
0x34: {  	s17 =	sadd.s32 $0x1, s17;
	[sflag:s12] =	ssyncset.done $0x0  }
0x35: {  	p0 =	sne.s32 s17, s10;
	[sflag:s12] =	ssyncadd.s32 $0xFFFFD800  }
.Ltmp1:
0x36: {  	[bflag:$0x0] =	sbarrier.arrive $0xFFFF;
	(pc) =	sbr.rel @p0 .LBB2_1-.Ltmp1, $4  }
0x37: {  	[hbm:s9], [sflag:s6] =	dma.local [spmem:s11], $0x2800  }
0x38: {  	_ =	swait.ge [sflag:s12], $0x2800  }
0x39: {  	[sflag:s12] =	ssyncset.done $0x0  }
0x3a: {  	[sflag:s12] =	ssyncadd.s32 $0xFFFFD800  }
0x3b: {  	_ =	sfence.sel $0x180000  }
0x3c: {  	[bflag:$0x0] =	sbarrier.arrive $0xFFFF  }
0x3d: {  	p0 =	sne.s32 s2, $0x0;
	_ =	strace $0x9000004A  }
0x3e: {  	s0 =	sadd.s32 @!p0 $0x100000, s0;
	[bflag:$0x2] =	sbarrier.arrive $0xFFFF  }
0x3f: {  	[sflag:s0] =	ssyncadd.tile.s32 @!p0 $0x1;
	_ =	shalt  }
.Lfunc_end2:
_tile_overlayer_lowered:
.L_overlay_start_2:
0x40: {  	(tag) =	ssettag $0x2  }
0x41: {  	s0 =	rddreg [dreg:$0x0];
	s2 =	stileid.u32  }
0x42: {  	s1 =	rddreg [dreg:$0x1];
	p0 =	sne.s32 s2, $0x0  }
0x43: {  	s3 =	rddreg [dreg:$0x2];
	[bflag:$0x3] =	sbarrier.arrive $0xFFFF;
	s2 =	simm.s32 @!p0 $0x1C02  }
0x44: {  	[timem:s3], [sflag:s2] =	dma.local @!p0 [hbm:s0], s1  }
0x45: {  	s0 =	simm.s32 @!p0 $0x2  }
0x46: {  	_ =	swait.ge @!p0 [sflag:s0], s1  }
0x47: {  	s1 =	ssub.s32 @!p0 $0x0, s1;
	[sflag:s0] =	ssyncset.done @!p0 $0x0  }
0x48: {  	[sflag:s0] =	ssyncadd.s32 @!p0 s1  }
0x49: {  	[bflag:$0x3] =	sbarrier.arrive $0xFFFF  }
0x4a: {  	_ =	shalt  }

</sc_bundles>
